<compile_context>
chip_gen: v7x
topology: tpu7x:2x2x1
jax: 0.10.2.dev20260603
libtpu: 0.0.44.dev20260713+nightly
codegen_flags: <defaults>
</compile_context>

<pallas_src>
import functools

import jax
import jax.numpy as jnp
from jax import lax
from jax.experimental import pallas as pl
from jax.experimental.pallas import tpu as pltpu
from jax.experimental.pallas import tpu_sc as plsc

N = 10000
D = 128
NC = 2
NS = 16
NW = NC * NS
CHUNK = 128
NPAD = 10240
RPT = NPAD // NS
BLK = 1024

_mesh = plsc.VectorSubcoreMesh(core_axis_name="c", subcore_axis_name="s",
                               num_cores=NC, num_subcores=NS)


def _fill(ref, n, value):
  v = jnp.full((16,), value, jnp.float32)

  def body(i, _):
    ref[pl.ds(i * 16, 16)] = v
    return 0

  lax.fori_loop(0, n // 16, body, 0)


def _deg_body(nch, row_hbm, dp_hbm, row_scr, ones_v, dbuf, deg_sh):
  c = lax.axis_index("c")
  s = lax.axis_index("s")
  w = c * NS + s
  _fill(dbuf, RPT, 0.0)
  _fill(ones_v, CHUNK, 1.0)
  pltpu.sync_copy(dbuf, deg_sh.at[pl.ds(s * RPT, RPT)])
  plsc.subcore_barrier()
  pltpu.sync_copy(row_hbm.at[w], row_scr)

  def body(j, _):
    pltpu.sync_copy(ones_v, deg_sh.at[row_scr.at[j]], add=True)
    return 0

  lax.fori_loop(0, nch, body, 0)
  plsc.subcore_barrier()
  pltpu.sync_copy(deg_sh.at[pl.ds(s * RPT, RPT)], dbuf)
  pltpu.sync_copy(dbuf, dp_hbm.at[c, pl.ds(s * RPT, RPT)])


BCH = 16


def _scat_body(nch, hs_hbm, row_hbm, col_hbm, p_hbm,
               row_scr, col_scr, b0, b1, acc_sh, s0, s1, t0, t1):
  c = lax.axis_index("c")
  s = lax.axis_index("s")
  w = c * NS + s
  def zbody(i, _):
    b0[i // 8, pl.ds((i % 8) * 16, 16)] = jnp.zeros((16,), jnp.float32)
    return 0

  lax.fori_loop(0, CHUNK * 8, zbody, 0)

  def ibody(k, _):
    pltpu.sync_copy(b0, acc_sh.at[pl.ds(s * RPT + k * CHUNK, CHUNK)])
    return 0

  lax.fori_loop(0, RPT // CHUNK, ibody, 0)
  plsc.subcore_barrier()

  def blk(bk, _):
    pltpu.sync_copy(row_hbm.at[w, pl.ds(bk * BCH, BCH)], row_scr)
    pltpu.sync_copy(col_hbm.at[w, pl.ds(bk * BCH, BCH)], col_scr)
    bufs = (b0, b1)
    gsems = (s0, s1)
    ssems = (t0, t1)
    gcp = [pltpu.async_copy(hs_hbm.at[col_scr.at[0]], b0, s0), None]
    scp = [None, None]
    for k in range(BCH):
      if k + 1 < BCH:
        if scp[(k + 1) % 2] is not None:
          scp[(k + 1) % 2].wait()
          scp[(k + 1) % 2] = None
        gcp[(k + 1) % 2] = pltpu.async_copy(
            hs_hbm.at[col_scr.at[k + 1]], bufs[(k + 1) % 2], gsems[(k + 1) % 2])
      gcp[k % 2].wait()
      scp[k % 2] = pltpu.async_copy(
          bufs[k % 2], acc_sh.at[row_scr.at[k]], ssems[k % 2], add=True)
    for q in scp:
      if q is not None:
        q.wait()
    return 0

  lax.fori_loop(0, nch // BCH, blk, 0)
  plsc.subcore_barrier()

  def ebody(k, _):
    pltpu.sync_copy(acc_sh.at[pl.ds(s * RPT + k * CHUNK, CHUNK)], b0)
    pltpu.sync_copy(b0, p_hbm.at[c, pl.ds(s * RPT + k * CHUNK, CHUNK)])
    return 0

  lax.fori_loop(0, RPT // CHUNK, ebody, 0)


def _mm_body(x_ref, w_ref, h_ref):
  h_ref[...] = jnp.dot(x_ref[...], w_ref[...], preferred_element_type=jnp.float32)


def _scale_body(h_ref, dp_ref, hs_ref):
  i = pl.program_id(0)
  deg = dp_ref[0, pl.ds(i * BLK, BLK)] + dp_ref[1, pl.ds(i * BLK, BLK)] + 1.0
  dis = lax.rsqrt(deg)
  hs_ref[...] = dis[:, None] * h_ref[...]


def _fin_body(hs_ref, p_ref, dp_ref, b_ref, o_ref):
  i = pl.program_id(0)
  deg = dp_ref[0, pl.ds(i * BLK, BLK)] + dp_ref[1, pl.ds(i * BLK, BLK)] + 1.0
  dis = lax.rsqrt(deg)
  s = hs_ref[...] + p_ref[0] + p_ref[1]
  o_ref[...] = dis[:, None] * s + b_ref[...][None, :]


def kernel(x, edge_index, W, b):
  e = edge_index.shape[1]
  nch = -(-e // (NW * CHUNK))
  nch = -(-nch // BCH) * BCH
  epad = NW * nch * CHUNK
  row = edge_index[0].astype(jnp.int32)
  col = edge_index[1].astype(jnp.int32)
  pad_ix = jnp.arange(epad - e, dtype=jnp.int32)
  rowp = jnp.concatenate(
      [row, N + pad_ix % (NPAD - N)]).reshape(NW, nch, CHUNK)
  colp = jnp.concatenate(
      [col, pad_ix % N]).reshape(NW, nch, CHUNK)

  deg_call = pl.kernel(
      functools.partial(_deg_body, nch),
      out_type=jax.ShapeDtypeStruct((NC, NPAD), jnp.float32),
      mesh=_mesh,
      scratch_types=[
          pltpu.VMEM((nch, CHUNK), jnp.int32),
          pltpu.VMEM((CHUNK,), jnp.float32),
          pltpu.VMEM((RPT,), jnp.float32),
          pltpu.VMEM_SHARED((NPAD,), jnp.float32),
      ],
  )
  dp = deg_call(rowp)

  xp = jnp.concatenate([x, jnp.zeros((NPAD - N, D), x.dtype)], axis=0)
  h = pl.pallas_call(
      _mm_body,
      out_shape=jax.ShapeDtypeStruct((NPAD, D), jnp.float32),
      grid=(NPAD // BLK,),
      in_specs=[
          pl.BlockSpec((BLK, D), lambda i: (i, 0)),
          pl.BlockSpec((D, D), lambda i: (0, 0)),
      ],
      out_specs=pl.BlockSpec((BLK, D), lambda i: (i, 0)),
  )(xp, W)
  hs = pl.pallas_call(
      _scale_body,
      out_shape=jax.ShapeDtypeStruct((NPAD, D), jnp.float32),
      grid=(NPAD // BLK,),
      in_specs=[
          pl.BlockSpec((BLK, D), lambda i: (i, 0)),
          pl.BlockSpec((NC, NPAD), lambda i: (0, 0)),
      ],
      out_specs=pl.BlockSpec((BLK, D), lambda i: (i, 0)),
  )(h, dp)

  scat_call = pl.kernel(
      functools.partial(_scat_body, nch),
      out_type=jax.ShapeDtypeStruct((NC, NPAD, D), jnp.float32),
      mesh=_mesh,
      scratch_types=[
          pltpu.VMEM((BCH, CHUNK), jnp.int32),
          pltpu.VMEM((BCH, CHUNK), jnp.int32),
          pltpu.VMEM((CHUNK, D), jnp.float32),
          pltpu.VMEM((CHUNK, D), jnp.float32),
          pltpu.VMEM_SHARED((NPAD, D), jnp.float32),
          pltpu.SemaphoreType.DMA,
          pltpu.SemaphoreType.DMA,
          pltpu.SemaphoreType.DMA,
          pltpu.SemaphoreType.DMA,
      ],
  )
  p = scat_call(hs, rowp, colp)

  out = pl.pallas_call(
      _fin_body,
      out_shape=jax.ShapeDtypeStruct((NPAD, D), jnp.float32),
      grid=(NPAD // BLK,),
      in_specs=[
          pl.BlockSpec((BLK, D), lambda i: (i, 0)),
          pl.BlockSpec((NC, BLK, D), lambda i: (0, i, 0)),
          pl.BlockSpec((NC, NPAD), lambda i: (0, 0)),
          pl.BlockSpec((D,), lambda i: (0,)),
      ],
      out_specs=pl.BlockSpec((BLK, D), lambda i: (i, 0)),
  )(hs, p, dp, b)
  return out[:N]

# --- scband reference (transcript-rebuilt; emitter-appended) ---
"""Pipeline reference for scband-text-gnn-2456721293450 (READ-ONLY COPY).

The authoritative reference and input builder live on the scoring server;
editing this copy changes nothing except your own understanding.
"""

import jax, jax.numpy as jnp
import numpy as np

N = 10000
E = 320000
D_IN = 128
D_OUT = 128

def setup_inputs(seed: int = 0) -> dict:
    key = jax.random.key(seed)
    k1, k2, k3, k4 = jax.random.split(key, 4)
    x = jax.random.normal(k1, (N, D_IN), dtype=jnp.float32)
    edge_index = jax.random.randint(k2, (2, E), 0, N, dtype=jnp.int64)
    # glorot init for weight
    limit = float(np.sqrt(6.0 / (D_IN + D_OUT)))
    W = jax.random.uniform(k3, (D_IN, D_OUT), dtype=jnp.float32, minval=-limit, maxval=limit)
    b = jnp.zeros((D_OUT,), dtype=jnp.float32)
    return {"x": x, "edge_index": edge_index, "W": W, "b": b}

def reference(x, edge_index, W, b):
    # GCNConv forward (add self-loops, symmetric normalization, scatter-add aggregation)
    n = x.shape[0]
    loop = jnp.arange(n, dtype=edge_index.dtype)
    ei = jnp.concatenate([edge_index, jnp.stack([loop, loop], axis=0)], axis=1)
    row, col = ei[0], ei[1]
    h = x @ W  # [N, D_OUT]
    edge_weight = jnp.ones((ei.shape[1],), dtype=jnp.float32)
    deg = jnp.zeros((n,), dtype=jnp.float32).at[row].add(edge_weight)
    deg_inv_sqrt = jnp.where(deg > 0, jax.lax.rsqrt(deg), 0.0)
    norm = deg_inv_sqrt[row] * edge_weight * deg_inv_sqrt[col]
    msgs = norm[:, None] * h[col]  # gather from source nodes
    out = jnp.zeros((n, h.shape[1]), dtype=h.dtype).at[row].add(msgs)  # scatter-add to dst
    out = out + b
    return out

if __name__ == "__main__":
    import jax
    _d = setup_inputs()
    print(jax.jit(kernel)(*tuple(_d.values())))

</pallas_src>

<mosaic_0001>
#map = affine_map<(d0, d1) -> (0, 0, 0)>
#map1 = affine_map<(d0, d1) -> (0, 0)>
module attributes {stable_mosaic.version = 14 : i64} {
  func.func @_deg_body(%arg0: i32, %arg1: i32, %arg2: memref<32x80x128xi32, #tpu.memory_space<hbm>>, %arg3: memref<2x10240xf32, #tpu.memory_space<hbm>>, %arg4: memref<80x128xi32, #tpu.memory_space<vmem>>, %arg5: memref<128xf32, #tpu.memory_space<vmem>>, %arg6: memref<640xf32, #tpu.memory_space<vmem>>, %arg7: memref<10240xf32, #tpu.memory_space<vmem_shared>>) attributes {dimension_semantics = [#tpu.dimension_semantics<core_parallel>, #tpu.dimension_semantics<subcore_parallel>], iteration_bounds = array<i64: 2, 16>, scalar_prefetch = 0 : i64, scratch_operands = 4 : i64, tpu.core_type = #tpu.core_type<sc_vector_subcore>, window_params = [{transform_indices = #map}, {transform_indices = #map1}]} {
    %mul3A = arith.constant 16 : i32
    %mul3A_0 = arith.muli %arg0, %mul3A : i32
    %add3A = arith.addi %mul3A_0, %arg1 : i32
    %broadcast_in_dim3A = arith.constant 0.000000e+00 : f32
    %broadcast_in_dim3A_1 = vector.broadcast %broadcast_in_dim3A : f32 to vector<16xf32>
    %scan3A = arith.constant 0 : i32
    %scan3A_2 = arith.constant 0 : i32
    %scan3A_3 = arith.constant 40 : i32
    %scan3A_4 = arith.addi %scan3A_2, %scan3A_3 : i32
    %scan3A_5 = arith.constant 1 : i32
    %scan3A_6 = scf.for %scan3A_31 = %scan3A_2 to %scan3A_4 step %scan3A_5 iter_args(%scan3A_32 = %scan3A) -> (i32)  : i32 {
      %mul3A_33 = arith.constant 16 : i32
      %mul3A_34 = arith.muli %scan3A_31, %mul3A_33 : i32
      %swap3A = arith.index_cast %mul3A_34 : i32 to index
      %swap3A_35 = tpu.vector_load %arg6[%swap3A] {strides = array<i32>} : memref<640xf32, #tpu.memory_space<vmem>>, vector<16xf32>,
      %swap3A_36 = vector.shape_cast %swap3A_35 : vector<16xf32> to vector<16xf32>
      %swap3A_37 = vector.shape_cast %broadcast_in_dim3A_1 : vector<16xf32> to vector<16xf32>
      tpu.vector_store %arg6[%swap3A], %swap3A_37 {strides = array<i32>} : memref<640xf32, #tpu.memory_space<vmem>>, vector<16xf32>,
      %scan3A_38 = arith.constant 0 : i32
      scf.yield %scan3A_38 : i32
    }
    %scan3A_7 = arith.constant 40 : i32
    %broadcast_in_dim3A_8 = arith.constant 1.000000e+00 : f32
    %broadcast_in_dim3A_9 = vector.broadcast %broadcast_in_dim3A_8 : f32 to vector<16xf32>
    %scan3A_10 = arith.constant 0 : i32
    %scan3A_11 = arith.constant 0 : i32
    %scan3A_12 = arith.constant 8 : i32
    %scan3A_13 = arith.addi %scan3A_11, %scan3A_12 : i32
    %scan3A_14 = arith.constant 1 : i32
    %scan3A_15 = scf.for %scan3A_31 = %scan3A_11 to %scan3A_13 step %scan3A_14 iter_args(%scan3A_32 = %scan3A_10) -> (i32)  : i32 {
      %mul3A_33 = arith.constant 16 : i32
      %mul3A_34 = arith.muli %scan3A_31, %mul3A_33 : i32
      %swap3A = arith.index_cast %mul3A_34 : i32 to index
      %swap3A_35 = tpu.vector_load %arg5[%swap3A] {strides = array<i32>} : memref<128xf32, #tpu.memory_space<vmem>>, vector<16xf32>,
      %swap3A_36 = vector.shape_cast %swap3A_35 : vector<16xf32> to vector<16xf32>
      %swap3A_37 = vector.shape_cast %broadcast_in_dim3A_9 : vector<16xf32> to vector<16xf32>
      tpu.vector_store %arg5[%swap3A], %swap3A_37 {strides = array<i32>} : memref<128xf32, #tpu.memory_space<vmem>>, vector<16xf32>,
      %scan3A_38 = arith.constant 0 : i32
      scf.yield %scan3A_38 : i32
    }
    %scan3A_16 = arith.constant 8 : i32
    %mul3A_17 = arith.constant 640 : i32
    %mul3A_18 = arith.muli %arg1, %mul3A_17 : i32
    "tpu.region"() ({
      %run_scoped3A = tpu.sem_alloc : memref<!tpu.dma_semaphore, #tpu.memory_space<semaphore_mem>>
      %dma_start3A = tpu.memref_slice %arg7[%mul3A_18] : memref<10240xf32, #tpu.memory_space<vmem_shared>> -> memref<640xf32, #tpu.memory_space<vmem_shared>>
      %dma_start3A_31 = tpu.memref_slice %arg7[%mul3A_18] : memref<10240xf32, #tpu.memory_space<vmem_shared>> -> memref<640xf32, #tpu.memory_space<vmem_shared>>
      tpu.enqueue_dma source(%arg6 : memref<640xf32, #tpu.memory_space<vmem>>) target(%dma_start3A_31 : memref<640xf32, #tpu.memory_space<vmem_shared>>) target_semaphore(%run_scoped3A : memref<!tpu.dma_semaphore, #tpu.memory_space<semaphore_mem>>)
      %dma_wait3A = tpu.memref_slice %arg7[%mul3A_18] : memref<10240xf32, #tpu.memory_space<vmem_shared>> -> memref<640xf32, #tpu.memory_space<vmem_shared>>
      %dma_wait3A_32 = tpu.memref_slice %arg7[%mul3A_18] : memref<10240xf32, #tpu.memory_space<vmem_shared>> -> memref<640xf32, #tpu.memory_space<vmem_shared>>
      tpu.wait_dma2 semaphore(%run_scoped3A : memref<!tpu.dma_semaphore, #tpu.memory_space<semaphore_mem>>) src(%arg6 : memref<640xf32, #tpu.memory_space<vmem>>) dst(%dma_wait3A_32 : memref<640xf32, #tpu.memory_space<vmem_shared>>)
      tpu.yield
    }) : () -> ()
    %barrier3A = arith.constant 0 : index
    tpu.barrier barrier_id(%barrier3A)
    "tpu.region"() ({
      %run_scoped3A = tpu.sem_alloc : memref<!tpu.dma_semaphore, #tpu.memory_space<semaphore_mem>>
      %dma_start3A = arith.constant 0 : i32
      %dma_start3A_31 = arith.constant 0 : i32
      %dma_start3A_32 = tpu.memref_slice %arg2[%add3A, %dma_start3A, %dma_start3A_31] : memref<32x80x128xi32, #tpu.memory_space<hbm>> -> memref<1x80x128xi32, #tpu.memory_space<hbm>>
      %dma_start3A_33 = tpu.memref_squeeze %dma_start3A_32 : memref<1x80x128xi32, #tpu.memory_space<hbm>> -> memref<80x128xi32, #tpu.memory_space<hbm>>
      %dma_start3A_34 = arith.constant 0 : i32
      %dma_start3A_35 = arith.constant 0 : i32
      %dma_start3A_36 = tpu.memref_slice %arg2[%add3A, %dma_start3A_34, %dma_start3A_35] : memref<32x80x128xi32, #tpu.memory_space<hbm>> -> memref<1x80x128xi32, #tpu.memory_space<hbm>>
      %dma_start3A_37 = tpu.memref_squeeze %dma_start3A_36 : memref<1x80x128xi32, #tpu.memory_space<hbm>> -> memref<80x128xi32, #tpu.memory_space<hbm>>
      tpu.enqueue_dma source(%dma_start3A_37 : memref<80x128xi32, #tpu.memory_space<hbm>>) target(%arg4 : memref<80x128xi32, #tpu.memory_space<vmem>>) target_semaphore(%run_scoped3A : memref<!tpu.dma_semaphore, #tpu.memory_space<semaphore_mem>>)
      %dma_wait3A = arith.constant 0 : i32
      %dma_wait3A_38 = arith.constant 0 : i32
      %dma_wait3A_39 = tpu.memref_slice %arg2[%add3A, %dma_wait3A, %dma_wait3A_38] : memref<32x80x128xi32, #tpu.memory_space<hbm>> -> memref<1x80x128xi32, #tpu.memory_space<hbm>>
      %dma_wait3A_40 = tpu.memref_squeeze %dma_wait3A_39 : memref<1x80x128xi32, #tpu.memory_space<hbm>> -> memref<80x128xi32, #tpu.memory_space<hbm>>
      %dma_wait3A_41 = arith.constant 0 : i32
      %dma_wait3A_42 = arith.constant 0 : i32
      %dma_wait3A_43 = tpu.memref_slice %arg2[%add3A, %dma_wait3A_41, %dma_wait3A_42] : memref<32x80x128xi32, #tpu.memory_space<hbm>> -> memref<1x80x128xi32, #tpu.memory_space<hbm>>
      %dma_wait3A_44 = tpu.memref_squeeze %dma_wait3A_43 : memref<1x80x128xi32, #tpu.memory_space<hbm>> -> memref<80x128xi32, #tpu.memory_space<hbm>>
      tpu.wait_dma2 semaphore(%run_scoped3A : memref<!tpu.dma_semaphore, #tpu.memory_space<semaphore_mem>>) src(%dma_wait3A_44 : memref<80x128xi32, #tpu.memory_space<hbm>>) dst(%arg4 : memref<80x128xi32, #tpu.memory_space<vmem>>)
      tpu.yield
    }) : () -> ()
    %scan3A_19 = arith.constant 0 : i32
    %scan3A_20 = arith.constant 0 : i32
    %scan3A_21 = arith.constant 80 : i32
    %scan3A_22 = arith.addi %scan3A_20, %scan3A_21 : i32
    %scan3A_23 = arith.constant 1 : i32
    %scan3A_24 = scf.for %scan3A_31 = %scan3A_20 to %scan3A_22 step %scan3A_23 iter_args(%scan3A_32 = %scan3A_19) -> (i32)  : i32 {
      "tpu.region"() ({
        %run_scoped3A = tpu.sem_alloc : memref<!tpu.dma_semaphore, #tpu.memory_space<semaphore_mem>>
        %dma_start3A = arith.constant 0 : i32
        %dma_start3A_34 = tpu.memref_slice %arg4[%scan3A_31, %dma_start3A] : memref<80x128xi32, #tpu.memory_space<vmem>> -> memref<1x128xi32, #tpu.memory_space<vmem>>
        %dma_start3A_35 = tpu.memref_squeeze %dma_start3A_34 : memref<1x128xi32, #tpu.memory_space<vmem>> -> memref<128xi32, #tpu.memory_space<vmem>>
        %dma_start3A_36 = arith.constant 0 : i32
        %dma_start3A_37 = tpu.memref_slice %arg7[%dma_start3A_36] : memref<10240xf32, #tpu.memory_space<vmem_shared>> -> memref<10240xf32, #tpu.memory_space<vmem_shared>>
        tpu.enqueue_indirect_dma source(%arg5 : memref<128xf32, #tpu.memory_space<vmem>>) target(%dma_start3A_37 : memref<10240xf32, #tpu.memory_space<vmem_shared>>) offsets(%dma_start3A_35 : memref<128xi32, #tpu.memory_space<vmem>>) semaphore(%run_scoped3A : memref<!tpu.dma_semaphore, #tpu.memory_space<semaphore_mem>>) {add = true}
        %dma_wait3A = arith.constant 0 : i32
        %dma_wait3A_38 = tpu.memref_slice %arg4[%scan3A_31, %dma_wait3A] : memref<80x128xi32, #tpu.memory_space<vmem>> -> memref<1x128xi32, #tpu.memory_space<vmem>>
        %dma_wait3A_39 = tpu.memref_squeeze %dma_wait3A_38 : memref<1x128xi32, #tpu.memory_space<vmem>> -> memref<128xi32, #tpu.memory_space<vmem>>
        %dma_wait3A_40 = arith.constant 0 : i32
        %dma_wait3A_41 = tpu.memref_slice %arg7[%dma_wait3A_40] : memref<10240xf32, #tpu.memory_space<vmem_shared>> -> memref<10240xf32, #tpu.memory_space<vmem_shared>>
        tpu.wait_indirect_dma semaphore(%run_scoped3A : memref<!tpu.dma_semaphore, #tpu.memory_space<semaphore_mem>>) src(%arg5 : memref<128xf32, #tpu.memory_space<vmem>>) dst(%dma_wait3A_41 : memref<10240xf32, #tpu.memory_space<vmem_shared>>)
        tpu.yield
      }) : () -> ()
      %scan3A_33 = arith.constant 0 : i32
      scf.yield %scan3A_33 : i32
    }
    %scan3A_25 = arith.constant 80 : i32
    %barrier3A_26 = arith.constant 0 : index
    tpu.barrier barrier_id(%barrier3A_26)
    %mul3A_27 = arith.constant 640 : i32
    %mul3A_28 = arith.muli %arg1, %mul3A_27 : i32
    "tpu.region"() ({
      %run_scoped3A = tpu.sem_alloc : memref<!tpu.dma_semaphore, #tpu.memory_space<semaphore_mem>>
      %dma_start3A = tpu.memref_slice %arg7[%mul3A_28] : memref<10240xf32, #tpu.memory_space<vmem_shared>> -> memref<640xf32, #tpu.memory_space<vmem_shared>>
      %dma_start3A_31 = tpu.memref_slice %arg7[%mul3A_28] : memref<10240xf32, #tpu.memory_space<vmem_shared>> -> memref<640xf32, #tpu.memory_space<vmem_shared>>
      tpu.enqueue_dma source(%dma_start3A_31 : memref<640xf32, #tpu.memory_space<vmem_shared>>) target(%arg6 : memref<640xf32, #tpu.memory_space<vmem>>) target_semaphore(%run_scoped3A : memref<!tpu.dma_semaphore, #tpu.memory_space<semaphore_mem>>)
      %dma_wait3A = tpu.memref_slice %arg7[%mul3A_28] : memref<10240xf32, #tpu.memory_space<vmem_shared>> -> memref<640xf32, #tpu.memory_space<vmem_shared>>
      %dma_wait3A_32 = tpu.memref_slice %arg7[%mul3A_28] : memref<10240xf32, #tpu.memory_space<vmem_shared>> -> memref<640xf32, #tpu.memory_space<vmem_shared>>
      tpu.wait_dma2 semaphore(%run_scoped3A : memref<!tpu.dma_semaphore, #tpu.memory_space<semaphore_mem>>) src(%dma_wait3A_32 : memref<640xf32, #tpu.memory_space<vmem_shared>>) dst(%arg6 : memref<640xf32, #tpu.memory_space<vmem>>)
      tpu.yield
    }) : () -> ()
    %mul3A_29 = arith.constant 640 : i32
    %mul3A_30 = arith.muli %arg1, %mul3A_29 : i32
    "tpu.region"() ({
      %run_scoped3A = tpu.sem_alloc : memref<!tpu.dma_semaphore, #tpu.memory_space<semaphore_mem>>
      %dma_start3A = tpu.memref_slice %arg3[%arg0, %mul3A_30] : memref<2x10240xf32, #tpu.memory_space<hbm>> -> memref<1x640xf32, #tpu.memory_space<hbm>>
      %dma_start3A_31 = tpu.memref_squeeze %dma_start3A : memref<1x640xf32, #tpu.memory_space<hbm>> -> memref<640xf32, #tpu.memory_space<hbm>>
      %dma_start3A_32 = tpu.memref_slice %arg3[%arg0, %mul3A_30] : memref<2x10240xf32, #tpu.memory_space<hbm>> -> memref<1x640xf32, #tpu.memory_space<hbm>>
      %dma_start3A_33 = tpu.memref_squeeze %dma_start3A_32 : memref<1x640xf32, #tpu.memory_space<hbm>> -> memref<640xf32, #tpu.memory_space<hbm>>
      tpu.enqueue_dma source(%arg6 : memref<640xf32, #tpu.memory_space<vmem>>) target(%dma_start3A_33 : memref<640xf32, #tpu.memory_space<hbm>>) target_semaphore(%run_scoped3A : memref<!tpu.dma_semaphore, #tpu.memory_space<semaphore_mem>>)
      %dma_wait3A = tpu.memref_slice %arg3[%arg0, %mul3A_30] : memref<2x10240xf32, #tpu.memory_space<hbm>> -> memref<1x640xf32, #tpu.memory_space<hbm>>
      %dma_wait3A_34 = tpu.memref_squeeze %dma_wait3A : memref<1x640xf32, #tpu.memory_space<hbm>> -> memref<640xf32, #tpu.memory_space<hbm>>
      %dma_wait3A_35 = tpu.memref_slice %arg3[%arg0, %mul3A_30] : memref<2x10240xf32, #tpu.memory_space<hbm>> -> memref<1x640xf32, #tpu.memory_space<hbm>>
      %dma_wait3A_36 = tpu.memref_squeeze %dma_wait3A_35 : memref<1x640xf32, #tpu.memory_space<hbm>> -> memref<640xf32, #tpu.memory_space<hbm>>
      tpu.wait_dma2 semaphore(%run_scoped3A : memref<!tpu.dma_semaphore, #tpu.memory_space<semaphore_mem>>) src(%arg6 : memref<640xf32, #tpu.memory_space<vmem>>) dst(%dma_wait3A_36 : memref<640xf32, #tpu.memory_space<hbm>>)
      tpu.yield
    }) : () -> ()
    return
  }
}

#map = affine_map<(d0, d1) -> (0, 0)>
#map1 = affine_map<(d0, d1) -> (0, 0, 0)>
module attributes {stable_mosaic.version = 14 : i64} {
  func.func @_scat_body(%arg0: i32, %arg1: i32, %arg2: memref<10240x128xf32, #tpu.memory_space<hbm>>, %arg3: memref<32x80x128xi32, #tpu.memory_space<hbm>>, %arg4: memref<32x80x128xi32, #tpu.memory_space<hbm>>, %arg5: memref<2x10240x128xf32, #tpu.memory_space<hbm>>, %arg6: memref<16x128xi32, #tpu.memory_space<vmem>>, %arg7: memref<16x128xi32, #tpu.memory_space<vmem>>, %arg8: memref<128x128xf32, #tpu.memory_space<vmem>>, %arg9: memref<128x128xf32, #tpu.memory_space<vmem>>, %arg10: memref<10240x128xf32, #tpu.memory_space<vmem_shared>>, %arg11: memref<!tpu.dma_semaphore, #tpu.memory_space<semaphore_mem>>, %arg12: memref<!tpu.dma_semaphore, #tpu.memory_space<semaphore_mem>>, %arg13: memref<!tpu.dma_semaphore, #tpu.memory_space<semaphore_mem>>, %arg14: memref<!tpu.dma_semaphore, #tpu.memory_space<semaphore_mem>>) attributes {dimension_semantics = [#tpu.dimension_semantics<core_parallel>, #tpu.dimension_semantics<subcore_parallel>], iteration_bounds = array<i64: 2, 16>, scalar_prefetch = 0 : i64, scratch_operands = 9 : i64, tpu.core_type = #tpu.core_type<sc_vector_subcore>, window_params = [{transform_indices = #map}, {transform_indices = #map1}, {transform_indices = #map1}, {transform_indices = #map1}]} {
    %mul3A = arith.constant 16 : i32
    %mul3A_0 = arith.muli %arg0, %mul3A : i32
    %add3A = arith.addi %mul3A_0, %arg1 : i32
    %scan3A = arith.constant 0 : i32
    %scan3A_1 = arith.constant 0 : i32
    %scan3A_2 = arith.constant 1024 : i32
    %scan3A_3 = arith.addi %scan3A_1, %scan3A_2 : i32
    %scan3A_4 = arith.constant 1 : i32
    %scan3A_5 = scf.for %scan3A_29 = %scan3A_1 to %scan3A_3 step %scan3A_4 iter_args(%scan3A_30 = %scan3A) -> (i32)  : i32 {
      %broadcast_in_dim3A = arith.constant 0.000000e+00 : f32
      %broadcast_in_dim3A_31 = vector.broadcast %broadcast_in_dim3A : f32 to vector<16xf32>
      %jit3A = arith.constant 8 : i32
      %div3A = arith.divsi %scan3A_29, %jit3A : i32
      %sign3A = arith.constant 0 : i32
      %sign3A_32 = arith.cmpi sgt, %scan3A_29, %sign3A : i32
      %sign3A_33 = arith.extui %sign3A_32 : i1 to i32
      %sign3A_34 = arith.constant 0 : i32
      %sign3A_35 = arith.cmpi slt, %scan3A_29, %sign3A_34 : i32
      %sign3A_36 = arith.extui %sign3A_35 : i1 to i32
      %sign3A_37 = arith.subi %sign3A_33, %sign3A_36 : i32
      %sign3A_38 = arith.constant 0 : i32
      %sign3A_39 = arith.cmpi sgt, %jit3A, %sign3A_38 : i32
      %sign3A_40 = arith.extui %sign3A_39 : i1 to i32
      %sign3A_41 = arith.constant 0 : i32
      %sign3A_42 = arith.cmpi slt, %jit3A, %sign3A_41 : i32
      %sign3A_43 = arith.extui %sign3A_42 : i1 to i32
      %sign3A_44 = arith.subi %sign3A_40, %sign3A_43 : i32
      %ne3A = arith.cmpi ne, %sign3A_37, %sign3A_44 : i32
      %rem3A = arith.remsi %scan3A_29, %jit3A : i32
      %ne3A_45 = arith.constant 0 : i32
      %ne3A_46 = arith.cmpi ne, %rem3A, %ne3A_45 : i32
      %and3A = arith.andi %ne3A, %ne3A_46 : i1
      %sub3A = arith.constant 1 : i32
      %sub3A_47 = arith.subi %div3A, %sub3A : i32
      %select_n3A = arith.select %and3A, %sub3A_47, %div3A : i32
      %jit3A_48 = arith.constant 8 : i32
      %eq3A = arith.constant 0 : i32
      %eq3A_49 = arith.cmpi eq, %jit3A_48, %eq3A : i32
      %jit3A_50 = arith.constant 1 : i32
      %select_n3A_51 = arith.select %eq3A_49, %jit3A_50, %jit3A_48 : i32
      %rem3A_52 = arith.remsi %scan3A_29, %select_n3A_51 : i32
      %ne3A_53 = arith.constant 0 : i32
      %ne3A_54 = arith.cmpi ne, %rem3A_52, %ne3A_53 : i32
      %lt3A = arith.constant 0 : i32
      %lt3A_55 = arith.cmpi slt, %rem3A_52, %lt3A : i32
      %lt3A_56 = arith.constant 0 : i32
      %lt3A_57 = arith.cmpi slt, %select_n3A_51, %lt3A_56 : i32
      %ne3A_58 = arith.xori %lt3A_55, %lt3A_57 : i1
      %and3A_59 = arith.andi %ne3A_58, %ne3A_54 : i1
      %add3A_60 = arith.addi %rem3A_52, %select_n3A_51 : i32
      %select_n3A_61 = arith.select %and3A_59, %add3A_60, %rem3A_52 : i32
      %mul3A_62 = arith.constant 16 : i32
      %mul3A_63 = arith.muli %select_n3A_61, %mul3A_62 : i32
      %swap3A = arith.index_cast %select_n3A : i32 to index
      %swap3A_64 = arith.index_cast %mul3A_63 : i32 to index
      %swap3A_65 = tpu.vector_load %arg8[%swap3A, %swap3A_64] {strides = array<i32>} : memref<128x128xf32, #tpu.memory_space<vmem>>, vector<1x16xf32>,
      %swap3A_66 = vector.shape_cast %swap3A_65 : vector<1x16xf32> to vector<16xf32>
      %swap3A_67 = vector.shape_cast %broadcast_in_dim3A_31 : vector<16xf32> to vector<1x16xf32>
      tpu.vector_store %arg8[%swap3A, %swap3A_64], %swap3A_67 {strides = array<i32>} : memref<128x128xf32, #tpu.memory_space<vmem>>, vector<1x16xf32>,
      %scan3A_68 = arith.constant 0 : i32
      scf.yield %scan3A_68 : i32
    }
    %scan3A_6 = arith.constant 1024 : i32
    %scan3A_7 = arith.constant 0 : i32
    %scan3A_8 = arith.constant 0 : i32
    %scan3A_9 = arith.constant 5 : i32
    %scan3A_10 = arith.addi %scan3A_8, %scan3A_9 : i32
    %scan3A_11 = arith.constant 1 : i32
    %scan3A_12 = scf.for %scan3A_29 = %scan3A_8 to %scan3A_10 step %scan3A_11 iter_args(%scan3A_30 = %scan3A_7) -> (i32)  : i32 {
      %mul3A_31 = arith.constant 640 : i32
      %mul3A_32 = arith.muli %arg1, %mul3A_31 : i32
      %mul3A_33 = arith.constant 128 : i32
      %mul3A_34 = arith.muli %scan3A_29, %mul3A_33 : i32
      %add3A_35 = arith.addi %mul3A_32, %mul3A_34 : i32
      "tpu.region"() ({
        %run_scoped3A = tpu.sem_alloc : memref<!tpu.dma_semaphore, #tpu.memory_space<semaphore_mem>>
        %dma_start3A = arith.constant 0 : i32
        %dma_start3A_37 = tpu.memref_slice %arg10[%add3A_35, %dma_start3A] : memref<10240x128xf32, #tpu.memory_space<vmem_shared>> -> memref<128x128xf32, #tpu.memory_space<vmem_shared>>
        %dma_start3A_38 = arith.constant 0 : i32
        %dma_start3A_39 = tpu.memref_slice %arg10[%add3A_35, %dma_start3A_38] : memref<10240x128xf32, #tpu.memory_space<vmem_shared>> -> memref<128x128xf32, #tpu.memory_space<vmem_shared>>
        tpu.enqueue_dma source(%arg8 : memref<128x128xf32, #tpu.memory_space<vmem>>) target(%dma_start3A_39 : memref<128x128xf32, #tpu.memory_space<vmem_shared>>) target_semaphore(%run_scoped3A : memref<!tpu.dma_semaphore, #tpu.memory_space<semaphore_mem>>)
        %dma_wait3A = arith.constant 0 : i32
        %dma_wait3A_40 = tpu.memref_slice %arg10[%add3A_35, %dma_wait3A] : memref<10240x128xf32, #tpu.memory_space<vmem_shared>> -> memref<128x128xf32, #tpu.memory_space<vmem_shared>>
        %dma_wait3A_41 = arith.constant 0 : i32
        %dma_wait3A_42 = tpu.memref_slice %arg10[%add3A_35, %dma_wait3A_41] : memref<10240x128xf32, #tpu.memory_space<vmem_shared>> -> memref<128x128xf32, #tpu.memory_space<vmem_shared>>
        tpu.wait_dma2 semaphore(%run_scoped3A : memref<!tpu.dma_semaphore, #tpu.memory_space<semaphore_mem>>) src(%arg8 : memref<128x128xf32, #tpu.memory_space<vmem>>) dst(%dma_wait3A_42 : memref<128x128xf32, #tpu.memory_space<vmem_shared>>)
        tpu.yield
      }) : () -> ()
      %scan3A_36 = arith.constant 0 : i32
      scf.yield %scan3A_36 : i32
    }
    %scan3A_13 = arith.constant 5 : i32
    %barrier3A = arith.constant 0 : index
    tpu.barrier barrier_id(%barrier3A)
    %scan3A_14 = arith.constant 0 : i32
    %scan3A_15 = arith.constant 0 : i32
    %scan3A_16 = arith.constant 5 : i32
    %scan3A_17 = arith.addi %scan3A_15, %scan3A_16 : i32
    %scan3A_18 = arith.constant 1 : i32
    %scan3A_19 = scf.for %scan3A_29 = %scan3A_15 to %scan3A_17 step %scan3A_18 iter_args(%scan3A_30 = %scan3A_14) -> (i32)  : i32 {
      %mul3A_31 = arith.constant 16 : i32
      %mul3A_32 = arith.muli %scan3A_29, %mul3A_31 : i32
      "tpu.region"() ({
        %run_scoped3A = tpu.sem_alloc : memref<!tpu.dma_semaphore, #tpu.memory_space<semaphore_mem>>
        %dma_start3A_482 = arith.constant 0 : i32
        %dma_start3A_483 = tpu.memref_slice %arg3[%add3A, %mul3A_32, %dma_start3A_482] : memref<32x80x128xi32, #tpu.memory_space<hbm>> -> memref<1x16x128xi32, #tpu.memory_space<hbm>>
        %dma_start3A_484 = tpu.memref_squeeze %dma_start3A_483 : memref<1x16x128xi32, #tpu.memory_space<hbm>> -> memref<16x128xi32, #tpu.memory_space<hbm>>
        %dma_start3A_485 = arith.constant 0 : i32
        %dma_start3A_486 = tpu.memref_slice %arg3[%add3A, %mul3A_32, %dma_start3A_485] : memref<32x80x128xi32, #tpu.memory_space<hbm>> -> memref<1x16x128xi32, #tpu.memory_space<hbm>>
        %dma_start3A_487 = tpu.memref_squeeze %dma_start3A_486 : memref<1x16x128xi32, #tpu.memory_space<hbm>> -> memref<16x128xi32, #tpu.memory_space<hbm>>
        tpu.enqueue_dma source(%dma_start3A_487 : memref<16x128xi32, #tpu.memory_space<hbm>>) target(%arg6 : memref<16x128xi32, #tpu.memory_space<vmem>>) target_semaphore(%run_scoped3A : memref<!tpu.dma_semaphore, #tpu.memory_space<semaphore_mem>>)
        %dma_wait3A_488 = arith.constant 0 : i32
        %dma_wait3A_489 = tpu.memref_slice %arg3[%add3A, %mul3A_32, %dma_wait3A_488] : memref<32x80x128xi32, #tpu.memory_space<hbm>> -> memref<1x16x128xi32, #tpu.memory_space<hbm>>
        %dma_wait3A_490 = tpu.memref_squeeze %dma_wait3A_489 : memref<1x16x128xi32, #tpu.memory_space<hbm>> -> memref<16x128xi32, #tpu.memory_space<hbm>>
        %dma_wait3A_491 = arith.constant 0 : i32
        %dma_wait3A_492 = tpu.memref_slice %arg3[%add3A, %mul3A_32, %dma_wait3A_491] : memref<32x80x128xi32, #tpu.memory_space<hbm>> -> memref<1x16x128xi32, #tpu.memory_space<hbm>>
        %dma_wait3A_493 = tpu.memref_squeeze %dma_wait3A_492 : memref<1x16x128xi32, #tpu.memory_space<hbm>> -> memref<16x128xi32, #tpu.memory_space<hbm>>
        tpu.wait_dma2 semaphore(%run_scoped3A : memref<!tpu.dma_semaphore, #tpu.memory_space<semaphore_mem>>) src(%dma_wait3A_493 : memref<16x128xi32, #tpu.memory_space<hbm>>) dst(%arg6 : memref<16x128xi32, #tpu.memory_space<vmem>>)
        tpu.yield
      }) : () -> ()
      %mul3A_33 = arith.constant 16 : i32
      %mul3A_34 = arith.muli %scan3A_29, %mul3A_33 : i32
      "tpu.region"() ({
        %run_scoped3A = tpu.sem_alloc : memref<!tpu.dma_semaphore, #tpu.memory_space<semaphore_mem>>
        %dma_start3A_482 = arith.constant 0 : i32
        %dma_start3A_483 = tpu.memref_slice %arg4[%add3A, %mul3A_34, %dma_start3A_482] : memref<32x80x128xi32, #tpu.memory_space<hbm>> -> memref<1x16x128xi32, #tpu.memory_space<hbm>>
        %dma_start3A_484 = tpu.memref_squeeze %dma_start3A_483 : memref<1x16x128xi32, #tpu.memory_space<hbm>> -> memref<16x128xi32, #tpu.memory_space<hbm>>
        %dma_start3A_485 = arith.constant 0 : i32
        %dma_start3A_486 = tpu.memref_slice %arg4[%add3A, %mul3A_34, %dma_start3A_485] : memref<32x80x128xi32, #tpu.memory_space<hbm>> -> memref<1x16x128xi32, #tpu.memory_space<hbm>>
        %dma_start3A_487 = tpu.memref_squeeze %dma_start3A_486 : memref<1x16x128xi32, #tpu.memory_space<hbm>> -> memref<16x128xi32, #tpu.memory_space<hbm>>
        tpu.enqueue_dma source(%dma_start3A_487 : memref<16x128xi32, #tpu.memory_space<hbm>>) target(%arg7 : memref<16x128xi32, #tpu.memory_space<vmem>>) target_semaphore(%run_scoped3A : memref<!tpu.dma_semaphore, #tpu.memory_space<semaphore_mem>>)
        %dma_wait3A_488 = arith.constant 0 : i32
        %dma_wait3A_489 = tpu.memref_slice %arg4[%add3A, %mul3A_34, %dma_wait3A_488] : memref<32x80x128xi32, #tpu.memory_space<hbm>> -> memref<1x16x128xi32, #tpu.memory_space<hbm>>
        %dma_wait3A_490 = tpu.memref_squeeze %dma_wait3A_489 : memref<1x16x128xi32, #tpu.memory_space<hbm>> -> memref<16x128xi32, #tpu.memory_space<hbm>>
        %dma_wait3A_491 = arith.constant 0 : i32
        %dma_wait3A_492 = tpu.memref_slice %arg4[%add3A, %mul3A_34, %dma_wait3A_491] : memref<32x80x128xi32, #tpu.memory_space<hbm>> -> memref<1x16x128xi32, #tpu.memory_space<hbm>>
        %dma_wait3A_493 = tpu.memref_squeeze %dma_wait3A_492 : memref<1x16x128xi32, #tpu.memory_space<hbm>> -> memref<16x128xi32, #tpu.memory_space<hbm>>
        tpu.wait_dma2 semaphore(%run_scoped3A : memref<!tpu.dma_semaphore, #tpu.memory_space<semaphore_mem>>) src(%dma_wait3A_493 : memref<16x128xi32, #tpu.memory_space<hbm>>) dst(%arg7 : memref<16x128xi32, #tpu.memory_space<vmem>>)
        tpu.yield
      }) : () -> ()
      %dma_start3A = arith.constant 0 : i32
      %dma_start3A_35 = arith.constant 0 : i32
      %dma_start3A_36 = tpu.memref_slice %arg7[%dma_start3A, %dma_start3A_35] : memref<16x128xi32, #tpu.memory_space<vmem>> -> memref<1x128xi32, #tpu.memory_space<vmem>>
      %dma_start3A_37 = tpu.memref_squeeze %dma_start3A_36 : memref<1x128xi32, #tpu.memory_space<vmem>> -> memref<128xi32, #tpu.memory_space<vmem>>
      %dma_start3A_38 = arith.constant 0 : i32
      %dma_start3A_39 = arith.constant 0 : i32
      %dma_start3A_40 = tpu.memref_slice %arg2[%dma_start3A_38, %dma_start3A_39] : memref<10240x128xf32, #tpu.memory_space<hbm>> -> memref<10240x128xf32, #tpu.memory_space<hbm>>
      tpu.enqueue_indirect_dma source(%dma_start3A_40 : memref<10240x128xf32, #tpu.memory_space<hbm>>) target(%arg8 : memref<128x128xf32, #tpu.memory_space<vmem>>) offsets(%dma_start3A_37 : memref<128xi32, #tpu.memory_space<vmem>>) semaphore(%arg11 : memref<!tpu.dma_semaphore, #tpu.memory_space<semaphore_mem>>)
      %dma_start3A_41 = arith.constant 1 : i32
      %dma_start3A_42 = arith.constant 0 : i32
      %dma_start3A_43 = tpu.memref_slice %arg7[%dma_start3A_41, %dma_start3A_42] : memref<16x128xi32, #tpu.memory_space<vmem>> -> memref<1x128xi32, #tpu.memory_space<vmem>>
      %dma_start3A_44 = tpu.memref_squeeze %dma_start3A_43 : memref<1x128xi32, #tpu.memory_space<vmem>> -> memref<128xi32, #tpu.memory_space<vmem>>
      %dma_start3A_45 = arith.constant 0 : i32
      %dma_start3A_46 = arith.constant 0 : i32
      %dma_start3A_47 = tpu.memref_slice %arg2[%dma_start3A_45, %dma_start3A_46] : memref<10240x128xf32, #tpu.memory_space<hbm>> -> memref<10240x128xf32, #tpu.memory_space<hbm>>
      tpu.enqueue_indirect_dma source(%dma_start3A_47 : memref<10240x128xf32, #tpu.memory_space<hbm>>) target(%arg9 : memref<128x128xf32, #tpu.memory_space<vmem>>) offsets(%dma_start3A_44 : memref<128xi32, #tpu.memory_space<vmem>>) semaphore(%arg12 : memref<!tpu.dma_semaphore, #tpu.memory_space<semaphore_mem>>)
      %dma_wait3A = arith.constant 0 : i32
      %dma_wait3A_48 = arith.constant 0 : i32
      %dma_wait3A_49 = tpu.memref_slice %arg7[%dma_wait3A, %dma_wait3A_48] : memref<16x128xi32, #tpu.memory_space<vmem>> -> memref<1x128xi32, #tpu.memory_space<vmem>>
      %dma_wait3A_50 = tpu.memref_squeeze %dma_wait3A_49 : memref<1x128xi32, #tpu.memory_space<vmem>> -> memref<128xi32, #tpu.memory_space<vmem>>
      %dma_wait3A_51 = arith.constant 0 : i32
      %dma_wait3A_52 = arith.constant 0 : i32
      %dma_wait3A_53 = tpu.memref_slice %arg2[%dma_wait3A_51, %dma_wait3A_52] : memref<10240x128xf32, #tpu.memory_space<hbm>> -> memref<10240x128xf32, #tpu.memory_space<hbm>>
      tpu.wait_indirect_dma semaphore(%arg11 : memref<!tpu.dma_semaphore, #tpu.memory_space<semaphore_mem>>) src(%dma_wait3A_53 : memref<10240x128xf32, #tpu.memory_space<hbm>>) dst(%arg8 : memref<128x128xf32, #tpu.memory_space<vmem>>)
      %dma_start3A_54 = arith.constant 0 : i32
      %dma_start3A_55 = arith.constant 0 : i32
      %dma_start3A_56 = tpu.memref_slice %arg6[%dma_start3A_54, %dma_start3A_55] : memref<16x128xi32, #tpu.memory_space<vmem>> -> memref<1x128xi32, #tpu.memory_space<vmem>>
      %dma_start3A_57 = tpu.memref_squeeze %dma_start3A_56 : memref<1x128xi32, #tpu.memory_space<vmem>> -> memref<128xi32, #tpu.memory_space<vmem>>
      %dma_start3A_58 = arith.constant 0 : i32
      %dma_start3A_59 = arith.constant 0 : i32
      %dma_start3A_60 = tpu.memref_slice %arg10[%dma_start3A_58, %dma_start3A_59] : memref<10240x128xf32, #tpu.memory_space<vmem_shared>> -> memref<10240x128xf32, #tpu.memory_space<vmem_shared>>
      tpu.enqueue_indirect_dma source(%arg8 : memref<128x128xf32, #tpu.memory_space<vmem>>) target(%dma_start3A_60 : memref<10240x128xf32, #tpu.memory_space<vmem_shared>>) offsets(%dma_start3A_57 : memref<128xi32, #tpu.memory_space<vmem>>) semaphore(%arg13 : memref<!tpu.dma_semaphore, #tpu.memory_space<semaphore_mem>>) {add = true}
      %dma_wait3A_61 = arith.constant 0 : i32
      %dma_wait3A_62 = arith.constant 0 : i32
      %dma_wait3A_63 = tpu.memref_slice %arg6[%dma_wait3A_61, %dma_wait3A_62] : memref<16x128xi32, #tpu.memory_space<vmem>> -> memref<1x128xi32, #tpu.memory_space<vmem>>
      %dma_wait3A_64 = tpu.memref_squeeze %dma_wait3A_63 : memref<1x128xi32, #tpu.memory_space<vmem>> -> memref<128xi32, #tpu.memory_space<vmem>>
      %dma_wait3A_65 = arith.constant 0 : i32
      %dma_wait3A_66 = arith.constant 0 : i32
      %dma_wait3A_67 = tpu.memref_slice %arg10[%dma_wait3A_65, %dma_wait3A_66] : memref<10240x128xf32, #tpu.memory_space<vmem_shared>> -> memref<10240x128xf32, #tpu.memory_space<vmem_shared>>
      tpu.wait_indirect_dma semaphore(%arg13 : memref<!tpu.dma_semaphore, #tpu.memory_space<semaphore_mem>>) src(%arg8 : memref<128x128xf32, #tpu.memory_space<vmem>>) dst(%dma_wait3A_67 : memref<10240x128xf32, #tpu.memory_space<vmem_shared>>)
      %dma_start3A_68 = arith.constant 2 : i32
      %dma_start3A_69 = arith.constant 0 : i32
      %dma_start3A_70 = tpu.memref_slice %arg7[%dma_start3A_68, %dma_start3A_69] : memref<16x128xi32, #tpu.memory_space<vmem>> -> memref<1x128xi32, #tpu.memory_space<vmem>>
      %dma_start3A_71 = tpu.memref_squeeze %dma_start3A_70 : memref<1x128xi32, #tpu.memory_space<vmem>> -> memref<128xi32, #tpu.memory_space<vmem>>
      %dma_start3A_72 = arith.constant 0 : i32
      %dma_start3A_73 = arith.constant 0 : i32
      %dma_start3A_74 = tpu.memref_slice %arg2[%dma_start3A_72, %dma_start3A_73] : memref<10240x128xf32, #tpu.memory_space<hbm>> -> memref<10240x128xf32, #tpu.memory_space<hbm>>
      tpu.enqueue_indirect_dma source(%dma_start3A_74 : memref<10240x128xf32, #tpu.memory_space<hbm>>) target(%arg8 : memref<128x128xf32, #tpu.memory_space<vmem>>) offsets(%dma_start3A_71 : memref<128xi32, #tpu.memory_space<vmem>>) semaphore(%arg11 : memref<!tpu.dma_semaphore, #tpu.memory_space<semaphore_mem>>)
      %dma_wait3A_75 = arith.constant 1 : i32
      %dma_wait3A_76 = arith.constant 0 : i32
      %dma_wait3A_77 = tpu.memref_slice %arg7[%dma_wait3A_75, %dma_wait3A_76] : memref<16x128xi32, #tpu.memory_space<vmem>> -> memref<1x128xi32, #tpu.memory_space<vmem>>
      %dma_wait3A_78 = tpu.memref_squeeze %dma_wait3A_77 : memref<1x128xi32, #tpu.memory_space<vmem>> -> memref<128xi32, #tpu.memory_space<vmem>>
      %dma_wait3A_79 = arith.constant 0 : i32
      %dma_wait3A_80 = arith.constant 0 : i32
      %dma_wait3A_81 = tpu.memref_slice %arg2[%dma_wait3A_79, %dma_wait3A_80] : memref<10240x128xf32, #tpu.memory_space<hbm>> -> memref<10240x128xf32, #tpu.memory_space<hbm>>
      tpu.wait_indirect_dma semaphore(%arg12 : memref<!tpu.dma_semaphore, #tpu.memory_space<semaphore_mem>>) src(%dma_wait3A_81 : memref<10240x128xf32, #tpu.memory_space<hbm>>) dst(%arg9 : memref<128x128xf32, #tpu.memory_space<vmem>>)
      %dma_start3A_82 = arith.constant 1 : i32
      %dma_start3A_83 = arith.constant 0 : i32
      %dma_start3A_84 = tpu.memref_slice %arg6[%dma_start3A_82, %dma_start3A_83] : memref<16x128xi32, #tpu.memory_space<vmem>> -> memref<1x128xi32, #tpu.memory_space<vmem>>
      %dma_start3A_85 = tpu.memref_squeeze %dma_start3A_84 : memref<1x128xi32, #tpu.memory_space<vmem>> -> memref<128xi32, #tpu.memory_space<vmem>>
      %dma_start3A_86 = arith.constant 0 : i32
      %dma_start3A_87 = arith.constant 0 : i32
      %dma_start3A_88 = tpu.memref_slice %arg10[%dma_start3A_86, %dma_start3A_87] : memref<10240x128xf32, #tpu.memory_space<vmem_shared>> -> memref<10240x128xf32, #tpu.memory_space<vmem_shared>>
      tpu.enqueue_indirect_dma source(%arg9 : memref<128x128xf32, #tpu.memory_space<vmem>>) target(%dma_start3A_88 : memref<10240x128xf32, #tpu.memory_space<vmem_shared>>) offsets(%dma_start3A_85 : memref<128xi32, #tpu.memory_space<vmem>>) semaphore(%arg14 : memref<!tpu.dma_semaphore, #tpu.memory_space<semaphore_mem>>) {add = true}
      %dma_wait3A_89 = arith.constant 1 : i32
      %dma_wait3A_90 = arith.constant 0 : i32
      %dma_wait3A_91 = tpu.memref_slice %arg6[%dma_wait3A_89, %dma_wait3A_90] : memref<16x128xi32, #tpu.memory_space<vmem>> -> memref<1x128xi32, #tpu.memory_space<vmem>>
      %dma_wait3A_92 = tpu.memref_squeeze %dma_wait3A_91 : memref<1x128xi32, #tpu.memory_space<vmem>> -> memref<128xi32, #tpu.memory_space<vmem>>
      %dma_wait3A_93 = arith.constant 0 : i32
      %dma_wait3A_94 = arith.constant 0 : i32
      %dma_wait3A_95 = tpu.memref_slice %arg10[%dma_wait3A_93, %dma_wait3A_94] : memref<10240x128xf32, #tpu.memory_space<vmem_shared>> -> memref<10240x128xf32, #tpu.memory_space<vmem_shared>>
      tpu.wait_indirect_dma semaphore(%arg14 : memref<!tpu.dma_semaphore, #tpu.memory_space<semaphore_mem>>) src(%arg9 : memref<128x128xf32, #tpu.memory_space<vmem>>) dst(%dma_wait3A_95 : memref<10240x128xf32, #tpu.memory_space<vmem_shared>>)
      %dma_start3A_96 = arith.constant 3 : i32
      %dma_start3A_97 = arith.constant 0 : i32
      %dma_start3A_98 = tpu.memref_slice %arg7[%dma_start3A_96, %dma_start3A_97] : memref<16x128xi32, #tpu.memory_space<vmem>> -> memref<1x128xi32, #tpu.memory_space<vmem>>
      %dma_start3A_99 = tpu.memref_squeeze %dma_start3A_98 : memref<1x128xi32, #tpu.memory_space<vmem>> -> memref<128xi32, #tpu.memory_space<vmem>>
      %dma_start3A_100 = arith.constant 0 : i32
      %dma_start3A_101 = arith.constant 0 : i32
      %dma_start3A_102 = tpu.memref_slice %arg2[%dma_start3A_100, %dma_start3A_101] : memref<10240x128xf32, #tpu.memory_space<hbm>> -> memref<10240x128xf32, #tpu.memory_space<hbm>>
      tpu.enqueue_indirect_dma source(%dma_start3A_102 : memref<10240x128xf32, #tpu.memory_space<hbm>>) target(%arg9 : memref<128x128xf32, #tpu.memory_space<vmem>>) offsets(%dma_start3A_99 : memref<128xi32, #tpu.memory_space<vmem>>) semaphore(%arg12 : memref<!tpu.dma_semaphore, #tpu.memory_space<semaphore_mem>>)
      %dma_wait3A_103 = arith.constant 2 : i32
      %dma_wait3A_104 = arith.constant 0 : i32
      %dma_wait3A_105 = tpu.memref_slice %arg7[%dma_wait3A_103, %dma_wait3A_104] : memref<16x128xi32, #tpu.memory_space<vmem>> -> memref<1x128xi32, #tpu.memory_space<vmem>>
      %dma_wait3A_106 = tpu.memref_squeeze %dma_wait3A_105 : memref<1x128xi32, #tpu.memory_space<vmem>> -> memref<128xi32, #tpu.memory_space<vmem>>
      %dma_wait3A_107 = arith.constant 0 : i32
      %dma_wait3A_108 = arith.constant 0 : i32
      %dma_wait3A_109 = tpu.memref_slice %arg2[%dma_wait3A_107, %dma_wait3A_108] : memref<10240x128xf32, #tpu.memory_space<hbm>> -> memref<10240x128xf32, #tpu.memory_space<hbm>>
      tpu.wait_indirect_dma semaphore(%arg11 : memref<!tpu.dma_semaphore, #tpu.memory_space<semaphore_mem>>) src(%dma_wait3A_109 : memref<10240x128xf32, #tpu.memory_space<hbm>>) dst(%arg8 : memref<128x128xf32, #tpu.memory_space<vmem>>)
      %dma_start3A_110 = arith.constant 2 : i32
      %dma_start3A_111 = arith.constant 0 : i32
      %dma_start3A_112 = tpu.memref_slice %arg6[%dma_start3A_110, %dma_start3A_111] : memref<16x128xi32, #tpu.memory_space<vmem>> -> memref<1x128xi32, #tpu.memory_space<vmem>>
      %dma_start3A_113 = tpu.memref_squeeze %dma_start3A_112 : memref<1x128xi32, #tpu.memory_space<vmem>> -> memref<128xi32, #tpu.memory_space<vmem>>
      %dma_start3A_114 = arith.constant 0 : i32
      %dma_start3A_115 = arith.constant 0 : i32
      %dma_start3A_116 = tpu.memref_slice %arg10[%dma_start3A_114, %dma_start3A_115] : memref<10240x128xf32, #tpu.memory_space<vmem_shared>> -> memref<10240x128xf32, #tpu.memory_space<vmem_shared>>
      tpu.enqueue_indirect_dma source(%arg8 : memref<128x128xf32, #tpu.memory_space<vmem>>) target(%dma_start3A_116 : memref<10240x128xf32, #tpu.memory_space<vmem_shared>>) offsets(%dma_start3A_113 : memref<128xi32, #tpu.memory_space<vmem>>) semaphore(%arg13 : memref<!tpu.dma_semaphore, #tpu.memory_space<semaphore_mem>>) {add = true}
      %dma_wait3A_117 = arith.constant 2 : i32
      %dma_wait3A_118 = arith.constant 0 : i32
      %dma_wait3A_119 = tpu.memref_slice %arg6[%dma_wait3A_117, %dma_wait3A_118] : memref<16x128xi32, #tpu.memory_space<vmem>> -> memref<1x128xi32, #tpu.memory_space<vmem>>
      %dma_wait3A_120 = tpu.memref_squeeze %dma_wait3A_119 : memref<1x128xi32, #tpu.memory_space<vmem>> -> memref<128xi32, #tpu.memory_space<vmem>>
      %dma_wait3A_121 = arith.constant 0 : i32
      %dma_wait3A_122 = arith.constant 0 : i32
      %dma_wait3A_123 = tpu.memref_slice %arg10[%dma_wait3A_121, %dma_wait3A_122] : memref<10240x128xf32, #tpu.memory_space<vmem_shared>> -> memref<10240x128xf32, #tpu.memory_space<vmem_shared>>
      tpu.wait_indirect_dma semaphore(%arg13 : memref<!tpu.dma_semaphore, #tpu.memory_space<semaphore_mem>>) src(%arg8 : memref<128x128xf32, #tpu.memory_space<vmem>>) dst(%dma_wait3A_123 : memref<10240x128xf32, #tpu.memory_space<vmem_shared>>)
      %dma_start3A_124 = arith.constant 4 : i32
      %dma_start3A_125 = arith.constant 0 : i32
      %dma_start3A_126 = tpu.memref_slice %arg7[%dma_start3A_124, %dma_start3A_125] : memref<16x128xi32, #tpu.memory_space<vmem>> -> memref<1x128xi32, #tpu.memory_space<vmem>>
      %dma_start3A_127 = tpu.memref_squeeze %dma_start3A_126 : memref<1x128xi32, #tpu.memory_space<vmem>> -> memref<128xi32, #tpu.memory_space<vmem>>
      %dma_start3A_128 = arith.constant 0 : i32
      %dma_start3A_129 = arith.constant 0 : i32
      %dma_start3A_130 = tpu.memref_slice %arg2[%dma_start3A_128, %dma_start3A_129] : memref<10240x128xf32, #tpu.memory_space<hbm>> -> memref<10240x128xf32, #tpu.memory_space<hbm>>
      tpu.enqueue_indirect_dma source(%dma_start3A_130 : memref<10240x128xf32, #tpu.memory_space<hbm>>) target(%arg8 : memref<128x128xf32, #tpu.memory_space<vmem>>) offsets(%dma_start3A_127 : memref<128xi32, #tpu.memory_space<vmem>>) semaphore(%arg11 : memref<!tpu.dma_semaphore, #tpu.memory_space<semaphore_mem>>)
      %dma_wait3A_131 = arith.constant 3 : i32
      %dma_wait3A_132 = arith.constant 0 : i32
      %dma_wait3A_133 = tpu.memref_slice %arg7[%dma_wait3A_131, %dma_wait3A_132] : memref<16x128xi32, #tpu.memory_space<vmem>> -> memref<1x128xi32, #tpu.memory_space<vmem>>
      %dma_wait3A_134 = tpu.memref_squeeze %dma_wait3A_133 : memref<1x128xi32, #tpu.memory_space<vmem>> -> memref<128xi32, #tpu.memory_space<vmem>>
      %dma_wait3A_135 = arith.constant 0 : i32
      %dma_wait3A_136 = arith.constant 0 : i32
      %dma_wait3A_137 = tpu.memref_slice %arg2[%dma_wait3A_135, %dma_wait3A_136] : memref<10240x128xf32, #tpu.memory_space<hbm>> -> memref<10240x128xf32, #tpu.memory_space<hbm>>
      tpu.wait_indirect_dma semaphore(%arg12 : memref<!tpu.dma_semaphore, #tpu.memory_space<semaphore_mem>>) src(%dma_wait3A_137 : memref<10240x128xf32, #tpu.memory_space<hbm>>) dst(%arg9 : memref<128x128xf32, #tpu.memory_space<vmem>>)
      %dma_start3A_138 = arith.constant 3 : i32
      %dma_start3A_139 = arith.constant 0 : i32
      %dma_start3A_140 = tpu.memref_slice %arg6[%dma_start3A_138, %dma_start3A_139] : memref<16x128xi32, #tpu.memory_space<vmem>> -> memref<1x128xi32, #tpu.memory_space<vmem>>
      %dma_start3A_141 = tpu.memref_squeeze %dma_start3A_140 : memref<1x128xi32, #tpu.memory_space<vmem>> -> memref<128xi32, #tpu.memory_space<vmem>>
      %dma_start3A_142 = arith.constant 0 : i32
      %dma_start3A_143 = arith.constant 0 : i32
      %dma_start3A_144 = tpu.memref_slice %arg10[%dma_start3A_142, %dma_start3A_143] : memref<10240x128xf32, #tpu.memory_space<vmem_shared>> -> memref<10240x128xf32, #tpu.memory_space<vmem_shared>>
      tpu.enqueue_indirect_dma source(%arg9 : memref<128x128xf32, #tpu.memory_space<vmem>>) target(%dma_start3A_144 : memref<10240x128xf32, #tpu.memory_space<vmem_shared>>) offsets(%dma_start3A_141 : memref<128xi32, #tpu.memory_space<vmem>>) semaphore(%arg14 : memref<!tpu.dma_semaphore, #tpu.memory_space<semaphore_mem>>) {add = true}
      %dma_wait3A_145 = arith.constant 3 : i32
      %dma_wait3A_146 = arith.constant 0 : i32
      %dma_wait3A_147 = tpu.memref_slice %arg6[%dma_wait3A_145, %dma_wait3A_146] : memref<16x128xi32, #tpu.memory_space<vmem>> -> memref<1x128xi32, #tpu.memory_space<vmem>>
      %dma_wait3A_148 = tpu.memref_squeeze %dma_wait3A_147 : memref<1x128xi32, #tpu.memory_space<vmem>> -> memref<128xi32, #tpu.memory_space<vmem>>
      %dma_wait3A_149 = arith.constant 0 : i32
      %dma_wait3A_150 = arith.constant 0 : i32
      %dma_wait3A_151 = tpu.memref_slice %arg10[%dma_wait3A_149, %dma_wait3A_150] : memref<10240x128xf32, #tpu.memory_space<vmem_shared>> -> memref<10240x128xf32, #tpu.memory_space<vmem_shared>>
      tpu.wait_indirect_dma semaphore(%arg14 : memref<!tpu.dma_semaphore, #tpu.memory_space<semaphore_mem>>) src(%arg9 : memref<128x128xf32, #tpu.memory_space<vmem>>) dst(%dma_wait3A_151 : memref<10240x128xf32, #tpu.memory_space<vmem_shared>>)
      %dma_start3A_152 = arith.constant 5 : i32
      %dma_start3A_153 = arith.constant 0 : i32
      %dma_start3A_154 = tpu.memref_slice %arg7[%dma_start3A_152, %dma_start3A_153] : memref<16x128xi32, #tpu.memory_space<vmem>> -> memref<1x128xi32, #tpu.memory_space<vmem>>
      %dma_start3A_155 = tpu.memref_squeeze %dma_start3A_154 : memref<1x128xi32, #tpu.memory_space<vmem>> -> memref<128xi32, #tpu.memory_space<vmem>>
      %dma_start3A_156 = arith.constant 0 : i32
      %dma_start3A_157 = arith.constant 0 : i32
      %dma_start3A_158 = tpu.memref_slice %arg2[%dma_start3A_156, %dma_start3A_157] : memref<10240x128xf32, #tpu.memory_space<hbm>> -> memref<10240x128xf32, #tpu.memory_space<hbm>>
      tpu.enqueue_indirect_dma source(%dma_start3A_158 : memref<10240x128xf32, #tpu.memory_space<hbm>>) target(%arg9 : memref<128x128xf32, #tpu.memory_space<vmem>>) offsets(%dma_start3A_155 : memref<128xi32, #tpu.memory_space<vmem>>) semaphore(%arg12 : memref<!tpu.dma_semaphore, #tpu.memory_space<semaphore_mem>>)
      %dma_wait3A_159 = arith.constant 4 : i32
      %dma_wait3A_160 = arith.constant 0 : i32
      %dma_wait3A_161 = tpu.memref_slice %arg7[%dma_wait3A_159, %dma_wait3A_160] : memref<16x128xi32, #tpu.memory_space<vmem>> -> memref<1x128xi32, #tpu.memory_space<vmem>>
      %dma_wait3A_162 = tpu.memref_squeeze %dma_wait3A_161 : memref<1x128xi32, #tpu.memory_space<vmem>> -> memref<128xi32, #tpu.memory_space<vmem>>
      %dma_wait3A_163 = arith.constant 0 : i32
      %dma_wait3A_164 = arith.constant 0 : i32
      %dma_wait3A_165 = tpu.memref_slice %arg2[%dma_wait3A_163, %dma_wait3A_164] : memref<10240x128xf32, #tpu.memory_space<hbm>> -> memref<10240x128xf32, #tpu.memory_space<hbm>>
      tpu.wait_indirect_dma semaphore(%arg11 : memref<!tpu.dma_semaphore, #tpu.memory_space<semaphore_mem>>) src(%dma_wait3A_165 : memref<10240x128xf32, #tpu.memory_space<hbm>>) dst(%arg8 : memref<128x128xf32, #tpu.memory_space<vmem>>)
      %dma_start3A_166 = arith.constant 4 : i32
      %dma_start3A_167 = arith.constant 0 : i32
      %dma_start3A_168 = tpu.memref_slice %arg6[%dma_start3A_166, %dma_start3A_167] : memref<16x128xi32, #tpu.memory_space<vmem>> -> memref<1x128xi32, #tpu.memory_space<vmem>>
      %dma_start3A_169 = tpu.memref_squeeze %dma_start3A_168 : memref<1x128xi32, #tpu.memory_space<vmem>> -> memref<128xi32, #tpu.memory_space<vmem>>
      %dma_start3A_170 = arith.constant 0 : i32
      %dma_start3A_171 = arith.constant 0 : i32
      %dma_start3A_172 = tpu.memref_slice %arg10[%dma_start3A_170, %dma_start3A_171] : memref<10240x128xf32, #tpu.memory_space<vmem_shared>> -> memref<10240x128xf32, #tpu.memory_space<vmem_shared>>
      tpu.enqueue_indirect_dma source(%arg8 : memref<128x128xf32, #tpu.memory_space<vmem>>) target(%dma_start3A_172 : memref<10240x128xf32, #tpu.memory_space<vmem_shared>>) offsets(%dma_start3A_169 : memref<128xi32, #tpu.memory_space<vmem>>) semaphore(%arg13 : memref<!tpu.dma_semaphore, #tpu.memory_space<semaphore_mem>>) {add = true}
      %dma_wait3A_173 = arith.constant 4 : i32
      %dma_wait3A_174 = arith.constant 0 : i32
      %dma_wait3A_175 = tpu.memref_slice %arg6[%dma_wait3A_173, %dma_wait3A_174] : memref<16x128xi32, #tpu.memory_space<vmem>> -> memref<1x128xi32, #tpu.memory_space<vmem>>
      %dma_wait3A_176 = tpu.memref_squeeze %dma_wait3A_175 : memref<1x128xi32, #tpu.memory_space<vmem>> -> memref<128xi32, #tpu.memory_space<vmem>>
      %dma_wait3A_177 = arith.constant 0 : i32
      %dma_wait3A_178 = arith.constant 0 : i32
      %dma_wait3A_179 = tpu.memref_slice %arg10[%dma_wait3A_177, %dma_wait3A_178] : memref<10240x128xf32, #tpu.memory_space<vmem_shared>> -> memref<10240x128xf32, #tpu.memory_space<vmem_shared>>
      tpu.wait_indirect_dma semaphore(%arg13 : memref<!tpu.dma_semaphore, #tpu.memory_space<semaphore_mem>>) src(%arg8 : memref<128x128xf32, #tpu.memory_space<vmem>>) dst(%dma_wait3A_179 : memref<10240x128xf32, #tpu.memory_space<vmem_shared>>)
      %dma_start3A_180 = arith.constant 6 : i32
      %dma_start3A_181 = arith.constant 0 : i32
      %dma_start3A_182 = tpu.memref_slice %arg7[%dma_start3A_180, %dma_start3A_181] : memref<16x128xi32, #tpu.memory_space<vmem>> -> memref<1x128xi32, #tpu.memory_space<vmem>>
      %dma_start3A_183 = tpu.memref_squeeze %dma_start3A_182 : memref<1x128xi32, #tpu.memory_space<vmem>> -> memref<128xi32, #tpu.memory_space<vmem>>
      %dma_start3A_184 = arith.constant 0 : i32
      %dma_start3A_185 = arith.constant 0 : i32
      %dma_start3A_186 = tpu.memref_slice %arg2[%dma_start3A_184, %dma_start3A_185] : memref<10240x128xf32, #tpu.memory_space<hbm>> -> memref<10240x128xf32, #tpu.memory_space<hbm>>
      tpu.enqueue_indirect_dma source(%dma_start3A_186 : memref<10240x128xf32, #tpu.memory_space<hbm>>) target(%arg8 : memref<128x128xf32, #tpu.memory_space<vmem>>) offsets(%dma_start3A_183 : memref<128xi32, #tpu.memory_space<vmem>>) semaphore(%arg11 : memref<!tpu.dma_semaphore, #tpu.memory_space<semaphore_mem>>)
      %dma_wait3A_187 = arith.constant 5 : i32
      %dma_wait3A_188 = arith.constant 0 : i32
      %dma_wait3A_189 = tpu.memref_slice %arg7[%dma_wait3A_187, %dma_wait3A_188] : memref<16x128xi32, #tpu.memory_space<vmem>> -> memref<1x128xi32, #tpu.memory_space<vmem>>
      %dma_wait3A_190 = tpu.memref_squeeze %dma_wait3A_189 : memref<1x128xi32, #tpu.memory_space<vmem>> -> memref<128xi32, #tpu.memory_space<vmem>>
      %dma_wait3A_191 = arith.constant 0 : i32
      %dma_wait3A_192 = arith.constant 0 : i32
      %dma_wait3A_193 = tpu.memref_slice %arg2[%dma_wait3A_191, %dma_wait3A_192] : memref<10240x128xf32, #tpu.memory_space<hbm>> -> memref<10240x128xf32, #tpu.memory_space<hbm>>
      tpu.wait_indirect_dma semaphore(%arg12 : memref<!tpu.dma_semaphore, #tpu.memory_space<semaphore_mem>>) src(%dma_wait3A_193 : memref<10240x128xf32, #tpu.memory_space<hbm>>) dst(%arg9 : memref<128x128xf32, #tpu.memory_space<vmem>>)
      %dma_start3A_194 = arith.constant 5 : i32
      %dma_start3A_195 = arith.constant 0 : i32
      %dma_start3A_196 = tpu.memref_slice %arg6[%dma_start3A_194, %dma_start3A_195] : memref<16x128xi32, #tpu.memory_space<vmem>> -> memref<1x128xi32, #tpu.memory_space<vmem>>
      %dma_start3A_197 = tpu.memref_squeeze %dma_start3A_196 : memref<1x128xi32, #tpu.memory_space<vmem>> -> memref<128xi32, #tpu.memory_space<vmem>>
      %dma_start3A_198 = arith.constant 0 : i32
      %dma_start3A_199 = arith.constant 0 : i32
      %dma_start3A_200 = tpu.memref_slice %arg10[%dma_start3A_198, %dma_start3A_199] : memref<10240x128xf32, #tpu.memory_space<vmem_shared>> -> memref<10240x128xf32, #tpu.memory_space<vmem_shared>>
      tpu.enqueue_indirect_dma source(%arg9 : memref<128x128xf32, #tpu.memory_space<vmem>>) target(%dma_start3A_200 : memref<10240x128xf32, #tpu.memory_space<vmem_shared>>) offsets(%dma_start3A_197 : memref<128xi32, #tpu.memory_space<vmem>>) semaphore(%arg14 : memref<!tpu.dma_semaphore, #tpu.memory_space<semaphore_mem>>) {add = true}
      %dma_wait3A_201 = arith.constant 5 : i32
      %dma_wait3A_202 = arith.constant 0 : i32
      %dma_wait3A_203 = tpu.memref_slice %arg6[%dma_wait3A_201, %dma_wait3A_202] : memref<16x128xi32, #tpu.memory_space<vmem>> -> memref<1x128xi32, #tpu.memory_space<vmem>>
      %dma_wait3A_204 = tpu.memref_squeeze %dma_wait3A_203 : memref<1x128xi32, #tpu.memory_space<vmem>> -> memref<128xi32, #tpu.memory_space<vmem>>
      %dma_wait3A_205 = arith.constant 0 : i32
      %dma_wait3A_206 = arith.constant 0 : i32
      %dma_wait3A_207 = tpu.memref_slice %arg10[%dma_wait3A_205, %dma_wait3A_206] : memref<10240x128xf32, #tpu.memory_space<vmem_shared>> -> memref<10240x128xf32, #tpu.memory_space<vmem_shared>>
      tpu.wait_indirect_dma semaphore(%arg14 : memref<!tpu.dma_semaphore, #tpu.memory_space<semaphore_mem>>) src(%arg9 : memref<128x128xf32, #tpu.memory_space<vmem>>) dst(%dma_wait3A_207 : memref<10240x128xf32, #tpu.memory_space<vmem_shared>>)
      %dma_start3A_208 = arith.constant 7 : i32
      %dma_start3A_209 = arith.constant 0 : i32
      %dma_start3A_210 = tpu.memref_slice %arg7[%dma_start3A_208, %dma_start3A_209] : memref<16x128xi32, #tpu.memory_space<vmem>> -> memref<1x128xi32, #tpu.memory_space<vmem>>
      %dma_start3A_211 = tpu.memref_squeeze %dma_start3A_210 : memref<1x128xi32, #tpu.memory_space<vmem>> -> memref<128xi32, #tpu.memory_space<vmem>>
      %dma_start3A_212 = arith.constant 0 : i32
      %dma_start3A_213 = arith.constant 0 : i32
      %dma_start3A_214 = tpu.memref_slice %arg2[%dma_start3A_212, %dma_start3A_213] : memref<10240x128xf32, #tpu.memory_space<hbm>> -> memref<10240x128xf32, #tpu.memory_space<hbm>>
      tpu.enqueue_indirect_dma source(%dma_start3A_214 : memref<10240x128xf32, #tpu.memory_space<hbm>>) target(%arg9 : memref<128x128xf32, #tpu.memory_space<vmem>>) offsets(%dma_start3A_211 : memref<128xi32, #tpu.memory_space<vmem>>) semaphore(%arg12 : memref<!tpu.dma_semaphore, #tpu.memory_space<semaphore_mem>>)
      %dma_wait3A_215 = arith.constant 6 : i32
      %dma_wait3A_216 = arith.constant 0 : i32
      %dma_wait3A_217 = tpu.memref_slice %arg7[%dma_wait3A_215, %dma_wait3A_216] : memref<16x128xi32, #tpu.memory_space<vmem>> -> memref<1x128xi32, #tpu.memory_space<vmem>>
      %dma_wait3A_218 = tpu.memref_squeeze %dma_wait3A_217 : memref<1x128xi32, #tpu.memory_space<vmem>> -> memref<128xi32, #tpu.memory_space<vmem>>
      %dma_wait3A_219 = arith.constant 0 : i32
      %dma_wait3A_220 = arith.constant 0 : i32
      %dma_wait3A_221 = tpu.memref_slice %arg2[%dma_wait3A_219, %dma_wait3A_220] : memref<10240x128xf32, #tpu.memory_space<hbm>> -> memref<10240x128xf32, #tpu.memory_space<hbm>>
      tpu.wait_indirect_dma semaphore(%arg11 : memref<!tpu.dma_semaphore, #tpu.memory_space<semaphore_mem>>) src(%dma_wait3A_221 : memref<10240x128xf32, #tpu.memory_space<hbm>>) dst(%arg8 : memref<128x128xf32, #tpu.memory_space<vmem>>)
      %dma_start3A_222 = arith.constant 6 : i32
      %dma_start3A_223 = arith.constant 0 : i32
      %dma_start3A_224 = tpu.memref_slice %arg6[%dma_start3A_222, %dma_start3A_223] : memref<16x128xi32, #tpu.memory_space<vmem>> -> memref<1x128xi32, #tpu.memory_space<vmem>>
      %dma_start3A_225 = tpu.memref_squeeze %dma_start3A_224 : memref<1x128xi32, #tpu.memory_space<vmem>> -> memref<128xi32, #tpu.memory_space<vmem>>
      %dma_start3A_226 = arith.constant 0 : i32
      %dma_start3A_227 = arith.constant 0 : i32
      %dma_start3A_228 = tpu.memref_slice %arg10[%dma_start3A_226, %dma_start3A_227] : memref<10240x128xf32, #tpu.memory_space<vmem_shared>> -> memref<10240x128xf32, #tpu.memory_space<vmem_shared>>
      tpu.enqueue_indirect_dma source(%arg8 : memref<128x128xf32, #tpu.memory_space<vmem>>) target(%dma_start3A_228 : memref<10240x128xf32, #tpu.memory_space<vmem_shared>>) offsets(%dma_start3A_225 : memref<128xi32, #tpu.memory_space<vmem>>) semaphore(%arg13 : memref<!tpu.dma_semaphore, #tpu.memory_space<semaphore_mem>>) {add = true}
      %dma_wait3A_229 = arith.constant 6 : i32
      %dma_wait3A_230 = arith.constant 0 : i32
      %dma_wait3A_231 = tpu.memref_slice %arg6[%dma_wait3A_229, %dma_wait3A_230] : memref<16x128xi32, #tpu.memory_space<vmem>> -> memref<1x128xi32, #tpu.memory_space<vmem>>
      %dma_wait3A_232 = tpu.memref_squeeze %dma_wait3A_231 : memref<1x128xi32, #tpu.memory_space<vmem>> -> memref<128xi32, #tpu.memory_space<vmem>>
      %dma_wait3A_233 = arith.constant 0 : i32
      %dma_wait3A_234 = arith.constant 0 : i32
      %dma_wait3A_235 = tpu.memref_slice %arg10[%dma_wait3A_233, %dma_wait3A_234] : memref<10240x128xf32, #tpu.memory_space<vmem_shared>> -> memref<10240x128xf32, #tpu.memory_space<vmem_shared>>
      tpu.wait_indirect_dma semaphore(%arg13 : memref<!tpu.dma_semaphore, #tpu.memory_space<semaphore_mem>>) src(%arg8 : memref<128x128xf32, #tpu.memory_space<vmem>>) dst(%dma_wait3A_235 : memref<10240x128xf32, #tpu.memory_space<vmem_shared>>)
      %dma_start3A_236 = arith.constant 8 : i32
      %dma_start3A_237 = arith.constant 0 : i32
      %dma_start3A_238 = tpu.memref_slice %arg7[%dma_start3A_236, %dma_start3A_237] : memref<16x128xi32, #tpu.memory_space<vmem>> -> memref<1x128xi32, #tpu.memory_space<vmem>>
      %dma_start3A_239 = tpu.memref_squeeze %dma_start3A_238 : memref<1x128xi32, #tpu.memory_space<vmem>> -> memref<128xi32, #tpu.memory_space<vmem>>
      %dma_start3A_240 = arith.constant 0 : i32
      %dma_start3A_241 = arith.constant 0 : i32
      %dma_start3A_242 = tpu.memref_slice %arg2[%dma_start3A_240, %dma_start3A_241] : memref<10240x128xf32, #tpu.memory_space<hbm>> -> memref<10240x128xf32, #tpu.memory_space<hbm>>
      tpu.enqueue_indirect_dma source(%dma_start3A_242 : memref<10240x128xf32, #tpu.memory_space<hbm>>) target(%arg8 : memref<128x128xf32, #tpu.memory_space<vmem>>) offsets(%dma_start3A_239 : memref<128xi32, #tpu.memory_space<vmem>>) semaphore(%arg11 : memref<!tpu.dma_semaphore, #tpu.memory_space<semaphore_mem>>)
      %dma_wait3A_243 = arith.constant 7 : i32
      %dma_wait3A_244 = arith.constant 0 : i32
      %dma_wait3A_245 = tpu.memref_slice %arg7[%dma_wait3A_243, %dma_wait3A_244] : memref<16x128xi32, #tpu.memory_space<vmem>> -> memref<1x128xi32, #tpu.memory_space<vmem>>
      %dma_wait3A_246 = tpu.memref_squeeze %dma_wait3A_245 : memref<1x128xi32, #tpu.memory_space<vmem>> -> memref<128xi32, #tpu.memory_space<vmem>>
      %dma_wait3A_247 = arith.constant 0 : i32
      %dma_wait3A_248 = arith.constant 0 : i32
      %dma_wait3A_249 = tpu.memref_slice %arg2[%dma_wait3A_247, %dma_wait3A_248] : memref<10240x128xf32, #tpu.memory_space<hbm>> -> memref<10240x128xf32, #tpu.memory_space<hbm>>
      tpu.wait_indirect_dma semaphore(%arg12 : memref<!tpu.dma_semaphore, #tpu.memory_space<semaphore_mem>>) src(%dma_wait3A_249 : memref<10240x128xf32, #tpu.memory_space<hbm>>) dst(%arg9 : memref<128x128xf32, #tpu.memory_space<vmem>>)
      %dma_start3A_250 = arith.constant 7 : i32
      %dma_start3A_251 = arith.constant 0 : i32
      %dma_start3A_252 = tpu.memref_slice %arg6[%dma_start3A_250, %dma_start3A_251] : memref<16x128xi32, #tpu.memory_space<vmem>> -> memref<1x128xi32, #tpu.memory_space<vmem>>
      %dma_start3A_253 = tpu.memref_squeeze %dma_start3A_252 : memref<1x128xi32, #tpu.memory_space<vmem>> -> memref<128xi32, #tpu.memory_space<vmem>>
      %dma_start3A_254 = arith.constant 0 : i32
      %dma_start3A_255 = arith.constant 0 : i32
      %dma_start3A_256 = tpu.memref_slice %arg10[%dma_start3A_254, %dma_start3A_255] : memref<10240x128xf32, #tpu.memory_space<vmem_shared>> -> memref<10240x128xf32, #tpu.memory_space<vmem_shared>>
      tpu.enqueue_indirect_dma source(%arg9 : memref<128x128xf32, #tpu.memory_space<vmem>>) target(%dma_start3A_256 : memref<10240x128xf32, #tpu.memory_space<vmem_shared>>) offsets(%dma_start3A_253 : memref<128xi32, #tpu.memory_space<vmem>>) semaphore(%arg14 : memref<!tpu.dma_semaphore, #tpu.memory_space<semaphore_mem>>) {add = true}
      %dma_wait3A_257 = arith.constant 7 : i32
      %dma_wait3A_258 = arith.constant 0 : i32
      %dma_wait3A_259 = tpu.memref_slice %arg6[%dma_wait3A_257, %dma_wait3A_258] : memref<16x128xi32, #tpu.memory_space<vmem>> -> memref<1x128xi32, #tpu.memory_space<vmem>>
      %dma_wait3A_260 = tpu.memref_squeeze %dma_wait3A_259 : memref<1x128xi32, #tpu.memory_space<vmem>> -> memref<128xi32, #tpu.memory_space<vmem>>
      %dma_wait3A_261 = arith.constant 0 : i32
      %dma_wait3A_262 = arith.constant 0 : i32
      %dma_wait3A_263 = tpu.memref_slice %arg10[%dma_wait3A_261, %dma_wait3A_262] : memref<10240x128xf32, #tpu.memory_space<vmem_shared>> -> memref<10240x128xf32, #tpu.memory_space<vmem_shared>>
      tpu.wait_indirect_dma semaphore(%arg14 : memref<!tpu.dma_semaphore, #tpu.memory_space<semaphore_mem>>) src(%arg9 : memref<128x128xf32, #tpu.memory_space<vmem>>) dst(%dma_wait3A_263 : memref<10240x128xf32, #tpu.memory_space<vmem_shared>>)
      %dma_start3A_264 = arith.constant 9 : i32
      %dma_start3A_265 = arith.constant 0 : i32
      %dma_start3A_266 = tpu.memref_slice %arg7[%dma_start3A_264, %dma_start3A_265] : memref<16x128xi32, #tpu.memory_space<vmem>> -> memref<1x128xi32, #tpu.memory_space<vmem>>
      %dma_start3A_267 = tpu.memref_squeeze %dma_start3A_266 : memref<1x128xi32, #tpu.memory_space<vmem>> -> memref<128xi32, #tpu.memory_space<vmem>>
      %dma_start3A_268 = arith.constant 0 : i32
      %dma_start3A_269 = arith.constant 0 : i32
      %dma_start3A_270 = tpu.memref_slice %arg2[%dma_start3A_268, %dma_start3A_269] : memref<10240x128xf32, #tpu.memory_space<hbm>> -> memref<10240x128xf32, #tpu.memory_space<hbm>>
      tpu.enqueue_indirect_dma source(%dma_start3A_270 : memref<10240x128xf32, #tpu.memory_space<hbm>>) target(%arg9 : memref<128x128xf32, #tpu.memory_space<vmem>>) offsets(%dma_start3A_267 : memref<128xi32, #tpu.memory_space<vmem>>) semaphore(%arg12 : memref<!tpu.dma_semaphore, #tpu.memory_space<semaphore_mem>>)
      %dma_wait3A_271 = arith.constant 8 : i32
      %dma_wait3A_272 = arith.constant 0 : i32
      %dma_wait3A_273 = tpu.memref_slice %arg7[%dma_wait3A_271, %dma_wait3A_272] : memref<16x128xi32, #tpu.memory_space<vmem>> -> memref<1x128xi32, #tpu.memory_space<vmem>>
      %dma_wait3A_274 = tpu.memref_squeeze %dma_wait3A_273 : memref<1x128xi32, #tpu.memory_space<vmem>> -> memref<128xi32, #tpu.memory_space<vmem>>
      %dma_wait3A_275 = arith.constant 0 : i32
      %dma_wait3A_276 = arith.constant 0 : i32
      %dma_wait3A_277 = tpu.memref_slice %arg2[%dma_wait3A_275, %dma_wait3A_276] : memref<10240x128xf32, #tpu.memory_space<hbm>> -> memref<10240x128xf32, #tpu.memory_space<hbm>>
      tpu.wait_indirect_dma semaphore(%arg11 : memref<!tpu.dma_semaphore, #tpu.memory_space<semaphore_mem>>) src(%dma_wait3A_277 : memref<10240x128xf32, #tpu.memory_space<hbm>>) dst(%arg8 : memref<128x128xf32, #tpu.memory_space<vmem>>)
      %dma_start3A_278 = arith.constant 8 : i32
      %dma_start3A_279 = arith.constant 0 : i32
      %dma_start3A_280 = tpu.memref_slice %arg6[%dma_start3A_278, %dma_start3A_279] : memref<16x128xi32, #tpu.memory_space<vmem>> -> memref<1x128xi32, #tpu.memory_space<vmem>>
      %dma_start3A_281 = tpu.memref_squeeze %dma_start3A_280 : memref<1x128xi32, #tpu.memory_space<vmem>> -> memref<128xi32, #tpu.memory_space<vmem>>
      %dma_start3A_282 = arith.constant 0 : i32
      %dma_start3A_283 = arith.constant 0 : i32
      %dma_start3A_284 = tpu.memref_slice %arg10[%dma_start3A_282, %dma_start3A_283] : memref<10240x128xf32, #tpu.memory_space<vmem_shared>> -> memref<10240x128xf32, #tpu.memory_space<vmem_shared>>
      tpu.enqueue_indirect_dma source(%arg8 : memref<128x128xf32, #tpu.memory_space<vmem>>) target(%dma_start3A_284 : memref<10240x128xf32, #tpu.memory_space<vmem_shared>>) offsets(%dma_start3A_281 : memref<128xi32, #tpu.memory_space<vmem>>) semaphore(%arg13 : memref<!tpu.dma_semaphore, #tpu.memory_space<semaphore_mem>>) {add = true}
      %dma_wait3A_285 = arith.constant 8 : i32
      %dma_wait3A_286 = arith.constant 0 : i32
      %dma_wait3A_287 = tpu.memref_slice %arg6[%dma_wait3A_285, %dma_wait3A_286] : memref<16x128xi32, #tpu.memory_space<vmem>> -> memref<1x128xi32, #tpu.memory_space<vmem>>
      %dma_wait3A_288 = tpu.memref_squeeze %dma_wait3A_287 : memref<1x128xi32, #tpu.memory_space<vmem>> -> memref<128xi32, #tpu.memory_space<vmem>>
      %dma_wait3A_289 = arith.constant 0 : i32
      %dma_wait3A_290 = arith.constant 0 : i32
      %dma_wait3A_291 = tpu.memref_slice %arg10[%dma_wait3A_289, %dma_wait3A_290] : memref<10240x128xf32, #tpu.memory_space<vmem_shared>> -> memref<10240x128xf32, #tpu.memory_space<vmem_shared>>
      tpu.wait_indirect_dma semaphore(%arg13 : memref<!tpu.dma_semaphore, #tpu.memory_space<semaphore_mem>>) src(%arg8 : memref<128x128xf32, #tpu.memory_space<vmem>>) dst(%dma_wait3A_291 : memref<10240x128xf32, #tpu.memory_space<vmem_shared>>)
      %dma_start3A_292 = arith.constant 10 : i32
      %dma_start3A_293 = arith.constant 0 : i32
      %dma_start3A_294 = tpu.memref_slice %arg7[%dma_start3A_292, %dma_start3A_293] : memref<16x128xi32, #tpu.memory_space<vmem>> -> memref<1x128xi32, #tpu.memory_space<vmem>>
      %dma_start3A_295 = tpu.memref_squeeze %dma_start3A_294 : memref<1x128xi32, #tpu.memory_space<vmem>> -> memref<128xi32, #tpu.memory_space<vmem>>
      %dma_start3A_296 = arith.constant 0 : i32
      %dma_start3A_297 = arith.constant 0 : i32
      %dma_start3A_298 = tpu.memref_slice %arg2[%dma_start3A_296, %dma_start3A_297] : memref<10240x128xf32, #tpu.memory_space<hbm>> -> memref<10240x128xf32, #tpu.memory_space<hbm>>
      tpu.enqueue_indirect_dma source(%dma_start3A_298 : memref<10240x128xf32, #tpu.memory_space<hbm>>) target(%arg8 : memref<128x128xf32, #tpu.memory_space<vmem>>) offsets(%dma_start3A_295 : memref<128xi32, #tpu.memory_space<vmem>>) semaphore(%arg11 : memref<!tpu.dma_semaphore, #tpu.memory_space<semaphore_mem>>)
      %dma_wait3A_299 = arith.constant 9 : i32
      %dma_wait3A_300 = arith.constant 0 : i32
      %dma_wait3A_301 = tpu.memref_slice %arg7[%dma_wait3A_299, %dma_wait3A_300] : memref<16x128xi32, #tpu.memory_space<vmem>> -> memref<1x128xi32, #tpu.memory_space<vmem>>
      %dma_wait3A_302 = tpu.memref_squeeze %dma_wait3A_301 : memref<1x128xi32, #tpu.memory_space<vmem>> -> memref<128xi32, #tpu.memory_space<vmem>>
      %dma_wait3A_303 = arith.constant 0 : i32
      %dma_wait3A_304 = arith.constant 0 : i32
      %dma_wait3A_305 = tpu.memref_slice %arg2[%dma_wait3A_303, %dma_wait3A_304] : memref<10240x128xf32, #tpu.memory_space<hbm>> -> memref<10240x128xf32, #tpu.memory_space<hbm>>
      tpu.wait_indirect_dma semaphore(%arg12 : memref<!tpu.dma_semaphore, #tpu.memory_space<semaphore_mem>>) src(%dma_wait3A_305 : memref<10240x128xf32, #tpu.memory_space<hbm>>) dst(%arg9 : memref<128x128xf32, #tpu.memory_space<vmem>>)
      %dma_start3A_306 = arith.constant 9 : i32
      %dma_start3A_307 = arith.constant 0 : i32
      %dma_start3A_308 = tpu.memref_slice %arg6[%dma_start3A_306, %dma_start3A_307] : memref<16x128xi32, #tpu.memory_space<vmem>> -> memref<1x128xi32, #tpu.memory_space<vmem>>
      %dma_start3A_309 = tpu.memref_squeeze %dma_start3A_308 : memref<1x128xi32, #tpu.memory_space<vmem>> -> memref<128xi32, #tpu.memory_space<vmem>>
      %dma_start3A_310 = arith.constant 0 : i32
      %dma_start3A_311 = arith.constant 0 : i32
      %dma_start3A_312 = tpu.memref_slice %arg10[%dma_start3A_310, %dma_start3A_311] : memref<10240x128xf32, #tpu.memory_space<vmem_shared>> -> memref<10240x128xf32, #tpu.memory_space<vmem_shared>>
      tpu.enqueue_indirect_dma source(%arg9 : memref<128x128xf32, #tpu.memory_space<vmem>>) target(%dma_start3A_312 : memref<10240x128xf32, #tpu.memory_space<vmem_shared>>) offsets(%dma_start3A_309 : memref<128xi32, #tpu.memory_space<vmem>>) semaphore(%arg14 : memref<!tpu.dma_semaphore, #tpu.memory_space<semaphore_mem>>) {add = true}
      %dma_wait3A_313 = arith.constant 9 : i32
      %dma_wait3A_314 = arith.constant 0 : i32
      %dma_wait3A_315 = tpu.memref_slice %arg6[%dma_wait3A_313, %dma_wait3A_314] : memref<16x128xi32, #tpu.memory_space<vmem>> -> memref<1x128xi32, #tpu.memory_space<vmem>>
      %dma_wait3A_316 = tpu.memref_squeeze %dma_wait3A_315 : memref<1x128xi32, #tpu.memory_space<vmem>> -> memref<128xi32, #tpu.memory_space<vmem>>
      %dma_wait3A_317 = arith.constant 0 : i32
      %dma_wait3A_318 = arith.constant 0 : i32
      %dma_wait3A_319 = tpu.memref_slice %arg10[%dma_wait3A_317, %dma_wait3A_318] : memref<10240x128xf32, #tpu.memory_space<vmem_shared>> -> memref<10240x128xf32, #tpu.memory_space<vmem_shared>>
      tpu.wait_indirect_dma semaphore(%arg14 : memref<!tpu.dma_semaphore, #tpu.memory_space<semaphore_mem>>) src(%arg9 : memref<128x128xf32, #tpu.memory_space<vmem>>) dst(%dma_wait3A_319 : memref<10240x128xf32, #tpu.memory_space<vmem_shared>>)
      %dma_start3A_320 = arith.constant 11 : i32
      %dma_start3A_321 = arith.constant 0 : i32
      %dma_start3A_322 = tpu.memref_slice %arg7[%dma_start3A_320, %dma_start3A_321] : memref<16x128xi32, #tpu.memory_space<vmem>> -> memref<1x128xi32, #tpu.memory_space<vmem>>
      %dma_start3A_323 = tpu.memref_squeeze %dma_start3A_322 : memref<1x128xi32, #tpu.memory_space<vmem>> -> memref<128xi32, #tpu.memory_space<vmem>>
      %dma_start3A_324 = arith.constant 0 : i32
      %dma_start3A_325 = arith.constant 0 : i32
      %dma_start3A_326 = tpu.memref_slice %arg2[%dma_start3A_324, %dma_start3A_325] : memref<10240x128xf32, #tpu.memory_space<hbm>> -> memref<10240x128xf32, #tpu.memory_space<hbm>>
      tpu.enqueue_indirect_dma source(%dma_start3A_326 : memref<10240x128xf32, #tpu.memory_space<hbm>>) target(%arg9 : memref<128x128xf32, #tpu.memory_space<vmem>>) offsets(%dma_start3A_323 : memref<128xi32, #tpu.memory_space<vmem>>) semaphore(%arg12 : memref<!tpu.dma_semaphore, #tpu.memory_space<semaphore_mem>>)
      %dma_wait3A_327 = arith.constant 10 : i32
      %dma_wait3A_328 = arith.constant 0 : i32
      %dma_wait3A_329 = tpu.memref_slice %arg7[%dma_wait3A_327, %dma_wait3A_328] : memref<16x128xi32, #tpu.memory_space<vmem>> -> memref<1x128xi32, #tpu.memory_space<vmem>>
      %dma_wait3A_330 = tpu.memref_squeeze %dma_wait3A_329 : memref<1x128xi32, #tpu.memory_space<vmem>> -> memref<128xi32, #tpu.memory_space<vmem>>
      %dma_wait3A_331 = arith.constant 0 : i32
      %dma_wait3A_332 = arith.constant 0 : i32
      %dma_wait3A_333 = tpu.memref_slice %arg2[%dma_wait3A_331, %dma_wait3A_332] : memref<10240x128xf32, #tpu.memory_space<hbm>> -> memref<10240x128xf32, #tpu.memory_space<hbm>>
      tpu.wait_indirect_dma semaphore(%arg11 : memref<!tpu.dma_semaphore, #tpu.memory_space<semaphore_mem>>) src(%dma_wait3A_333 : memref<10240x128xf32, #tpu.memory_space<hbm>>) dst(%arg8 : memref<128x128xf32, #tpu.memory_space<vmem>>)
      %dma_start3A_334 = arith.constant 10 : i32
      %dma_start3A_335 = arith.constant 0 : i32
      %dma_start3A_336 = tpu.memref_slice %arg6[%dma_start3A_334, %dma_start3A_335] : memref<16x128xi32, #tpu.memory_space<vmem>> -> memref<1x128xi32, #tpu.memory_space<vmem>>
      %dma_start3A_337 = tpu.memref_squeeze %dma_start3A_336 : memref<1x128xi32, #tpu.memory_space<vmem>> -> memref<128xi32, #tpu.memory_space<vmem>>
      %dma_start3A_338 = arith.constant 0 : i32
      %dma_start3A_339 = arith.constant 0 : i32
      %dma_start3A_340 = tpu.memref_slice %arg10[%dma_start3A_338, %dma_start3A_339] : memref<10240x128xf32, #tpu.memory_space<vmem_shared>> -> memref<10240x128xf32, #tpu.memory_space<vmem_shared>>
      tpu.enqueue_indirect_dma source(%arg8 : memref<128x128xf32, #tpu.memory_space<vmem>>) target(%dma_start3A_340 : memref<10240x128xf32, #tpu.memory_space<vmem_shared>>) offsets(%dma_start3A_337 : memref<128xi32, #tpu.memory_space<vmem>>) semaphore(%arg13 : memref<!tpu.dma_semaphore, #tpu.memory_space<semaphore_mem>>) {add = true}
      %dma_wait3A_341 = arith.constant 10 : i32
      %dma_wait3A_342 = arith.constant 0 : i32
      %dma_wait3A_343 = tpu.memref_slice %arg6[%dma_wait3A_341, %dma_wait3A_342] : memref<16x128xi32, #tpu.memory_space<vmem>> -> memref<1x128xi32, #tpu.memory_space<vmem>>
      %dma_wait3A_344 = tpu.memref_squeeze %dma_wait3A_343 : memref<1x128xi32, #tpu.memory_space<vmem>> -> memref<128xi32, #tpu.memory_space<vmem>>
      %dma_wait3A_345 = arith.constant 0 : i32
      %dma_wait3A_346 = arith.constant 0 : i32
      %dma_wait3A_347 = tpu.memref_slice %arg10[%dma_wait3A_345, %dma_wait3A_346] : memref<10240x128xf32, #tpu.memory_space<vmem_shared>> -> memref<10240x128xf32, #tpu.memory_space<vmem_shared>>
      tpu.wait_indirect_dma semaphore(%arg13 : memref<!tpu.dma_semaphore, #tpu.memory_space<semaphore_mem>>) src(%arg8 : memref<128x128xf32, #tpu.memory_space<vmem>>) dst(%dma_wait3A_347 : memref<10240x128xf32, #tpu.memory_space<vmem_shared>>)
      %dma_start3A_348 = arith.constant 12 : i32
      %dma_start3A_349 = arith.constant 0 : i32
      %dma_start3A_350 = tpu.memref_slice %arg7[%dma_start3A_348, %dma_start3A_349] : memref<16x128xi32, #tpu.memory_space<vmem>> -> memref<1x128xi32, #tpu.memory_space<vmem>>
      %dma_start3A_351 = tpu.memref_squeeze %dma_start3A_350 : memref<1x128xi32, #tpu.memory_space<vmem>> -> memref<128xi32, #tpu.memory_space<vmem>>
      %dma_start3A_352 = arith.constant 0 : i32
      %dma_start3A_353 = arith.constant 0 : i32
      %dma_start3A_354 = tpu.memref_slice %arg2[%dma_start3A_352, %dma_start3A_353] : memref<10240x128xf32, #tpu.memory_space<hbm>> -> memref<10240x128xf32, #tpu.memory_space<hbm>>
      tpu.enqueue_indirect_dma source(%dma_start3A_354 : memref<10240x128xf32, #tpu.memory_space<hbm>>) target(%arg8 : memref<128x128xf32, #tpu.memory_space<vmem>>) offsets(%dma_start3A_351 : memref<128xi32, #tpu.memory_space<vmem>>) semaphore(%arg11 : memref<!tpu.dma_semaphore, #tpu.memory_space<semaphore_mem>>)
      %dma_wait3A_355 = arith.constant 11 : i32
      %dma_wait3A_356 = arith.constant 0 : i32
      %dma_wait3A_357 = tpu.memref_slice %arg7[%dma_wait3A_355, %dma_wait3A_356] : memref<16x128xi32, #tpu.memory_space<vmem>> -> memref<1x128xi32, #tpu.memory_space<vmem>>
      %dma_wait3A_358 = tpu.memref_squeeze %dma_wait3A_357 : memref<1x128xi32, #tpu.memory_space<vmem>> -> memref<128xi32, #tpu.memory_space<vmem>>
      %dma_wait3A_359 = arith.constant 0 : i32
      %dma_wait3A_360 = arith.constant 0 : i32
      %dma_wait3A_361 = tpu.memref_slice %arg2[%dma_wait3A_359, %dma_wait3A_360] : memref<10240x128xf32, #tpu.memory_space<hbm>> -> memref<10240x128xf32, #tpu.memory_space<hbm>>
      tpu.wait_indirect_dma semaphore(%arg12 : memref<!tpu.dma_semaphore, #tpu.memory_space<semaphore_mem>>) src(%dma_wait3A_361 : memref<10240x128xf32, #tpu.memory_space<hbm>>) dst(%arg9 : memref<128x128xf32, #tpu.memory_space<vmem>>)
      %dma_start3A_362 = arith.constant 11 : i32
      %dma_start3A_363 = arith.constant 0 : i32
      %dma_start3A_364 = tpu.memref_slice %arg6[%dma_start3A_362, %dma_start3A_363] : memref<16x128xi32, #tpu.memory_space<vmem>> -> memref<1x128xi32, #tpu.memory_space<vmem>>
      %dma_start3A_365 = tpu.memref_squeeze %dma_start3A_364 : memref<1x128xi32, #tpu.memory_space<vmem>> -> memref<128xi32, #tpu.memory_space<vmem>>
      %dma_start3A_366 = arith.constant 0 : i32
      %dma_start3A_367 = arith.constant 0 : i32
      %dma_start3A_368 = tpu.memref_slice %arg10[%dma_start3A_366, %dma_start3A_367] : memref<10240x128xf32, #tpu.memory_space<vmem_shared>> -> memref<10240x128xf32, #tpu.memory_space<vmem_shared>>
      tpu.enqueue_indirect_dma source(%arg9 : memref<128x128xf32, #tpu.memory_space<vmem>>) target(%dma_start3A_368 : memref<10240x128xf32, #tpu.memory_space<vmem_shared>>) offsets(%dma_start3A_365 : memref<128xi32, #tpu.memory_space<vmem>>) semaphore(%arg14 : memref<!tpu.dma_semaphore, #tpu.memory_space<semaphore_mem>>) {add = true}
      %dma_wait3A_369 = arith.constant 11 : i32
      %dma_wait3A_370 = arith.constant 0 : i32
      %dma_wait3A_371 = tpu.memref_slice %arg6[%dma_wait3A_369, %dma_wait3A_370] : memref<16x128xi32, #tpu.memory_space<vmem>> -> memref<1x128xi32, #tpu.memory_space<vmem>>
      %dma_wait3A_372 = tpu.memref_squeeze %dma_wait3A_371 : memref<1x128xi32, #tpu.memory_space<vmem>> -> memref<128xi32, #tpu.memory_space<vmem>>
      %dma_wait3A_373 = arith.constant 0 : i32
      %dma_wait3A_374 = arith.constant 0 : i32
      %dma_wait3A_375 = tpu.memref_slice %arg10[%dma_wait3A_373, %dma_wait3A_374] : memref<10240x128xf32, #tpu.memory_space<vmem_shared>> -> memref<10240x128xf32, #tpu.memory_space<vmem_shared>>
      tpu.wait_indirect_dma semaphore(%arg14 : memref<!tpu.dma_semaphore, #tpu.memory_space<semaphore_mem>>) src(%arg9 : memref<128x128xf32, #tpu.memory_space<vmem>>) dst(%dma_wait3A_375 : memref<10240x128xf32, #tpu.memory_space<vmem_shared>>)
      %dma_start3A_376 = arith.constant 13 : i32
      %dma_start3A_377 = arith.constant 0 : i32
      %dma_start3A_378 = tpu.memref_slice %arg7[%dma_start3A_376, %dma_start3A_377] : memref<16x128xi32, #tpu.memory_space<vmem>> -> memref<1x128xi32, #tpu.memory_space<vmem>>
      %dma_start3A_379 = tpu.memref_squeeze %dma_start3A_378 : memref<1x128xi32, #tpu.memory_space<vmem>> -> memref<128xi32, #tpu.memory_space<vmem>>
      %dma_start3A_380 = arith.constant 0 : i32
      %dma_start3A_381 = arith.constant 0 : i32
      %dma_start3A_382 = tpu.memref_slice %arg2[%dma_start3A_380, %dma_start3A_381] : memref<10240x128xf32, #tpu.memory_space<hbm>> -> memref<10240x128xf32, #tpu.memory_space<hbm>>
      tpu.enqueue_indirect_dma source(%dma_start3A_382 : memref<10240x128xf32, #tpu.memory_space<hbm>>) target(%arg9 : memref<128x128xf32, #tpu.memory_space<vmem>>) offsets(%dma_start3A_379 : memref<128xi32, #tpu.memory_space<vmem>>) semaphore(%arg12 : memref<!tpu.dma_semaphore, #tpu.memory_space<semaphore_mem>>)
      %dma_wait3A_383 = arith.constant 12 : i32
      %dma_wait3A_384 = arith.constant 0 : i32
      %dma_wait3A_385 = tpu.memref_slice %arg7[%dma_wait3A_383, %dma_wait3A_384] : memref<16x128xi32, #tpu.memory_space<vmem>> -> memref<1x128xi32, #tpu.memory_space<vmem>>
      %dma_wait3A_386 = tpu.memref_squeeze %dma_wait3A_385 : memref<1x128xi32, #tpu.memory_space<vmem>> -> memref<128xi32, #tpu.memory_space<vmem>>
      %dma_wait3A_387 = arith.constant 0 : i32
      %dma_wait3A_388 = arith.constant 0 : i32
      %dma_wait3A_389 = tpu.memref_slice %arg2[%dma_wait3A_387, %dma_wait3A_388] : memref<10240x128xf32, #tpu.memory_space<hbm>> -> memref<10240x128xf32, #tpu.memory_space<hbm>>
      tpu.wait_indirect_dma semaphore(%arg11 : memref<!tpu.dma_semaphore, #tpu.memory_space<semaphore_mem>>) src(%dma_wait3A_389 : memref<10240x128xf32, #tpu.memory_space<hbm>>) dst(%arg8 : memref<128x128xf32, #tpu.memory_space<vmem>>)
      %dma_start3A_390 = arith.constant 12 : i32
      %dma_start3A_391 = arith.constant 0 : i32
      %dma_start3A_392 = tpu.memref_slice %arg6[%dma_start3A_390, %dma_start3A_391] : memref<16x128xi32, #tpu.memory_space<vmem>> -> memref<1x128xi32, #tpu.memory_space<vmem>>
      %dma_start3A_393 = tpu.memref_squeeze %dma_start3A_392 : memref<1x128xi32, #tpu.memory_space<vmem>> -> memref<128xi32, #tpu.memory_space<vmem>>
      %dma_start3A_394 = arith.constant 0 : i32
      %dma_start3A_395 = arith.constant 0 : i32
      %dma_start3A_396 = tpu.memref_slice %arg10[%dma_start3A_394, %dma_start3A_395] : memref<10240x128xf32, #tpu.memory_space<vmem_shared>> -> memref<10240x128xf32, #tpu.memory_space<vmem_shared>>
      tpu.enqueue_indirect_dma source(%arg8 : memref<128x128xf32, #tpu.memory_space<vmem>>) target(%dma_start3A_396 : memref<10240x128xf32, #tpu.memory_space<vmem_shared>>) offsets(%dma_start3A_393 : memref<128xi32, #tpu.memory_space<vmem>>) semaphore(%arg13 : memref<!tpu.dma_semaphore, #tpu.memory_space<semaphore_mem>>) {add = true}
      %dma_wait3A_397 = arith.constant 12 : i32
      %dma_wait3A_398 = arith.constant 0 : i32
      %dma_wait3A_399 = tpu.memref_slice %arg6[%dma_wait3A_397, %dma_wait3A_398] : memref<16x128xi32, #tpu.memory_space<vmem>> -> memref<1x128xi32, #tpu.memory_space<vmem>>
      %dma_wait3A_400 = tpu.memref_squeeze %dma_wait3A_399 : memref<1x128xi32, #tpu.memory_space<vmem>> -> memref<128xi32, #tpu.memory_space<vmem>>
      %dma_wait3A_401 = arith.constant 0 : i32
      %dma_wait3A_402 = arith.constant 0 : i32
      %dma_wait3A_403 = tpu.memref_slice %arg10[%dma_wait3A_401, %dma_wait3A_402] : memref<10240x128xf32, #tpu.memory_space<vmem_shared>> -> memref<10240x128xf32, #tpu.memory_space<vmem_shared>>
      tpu.wait_indirect_dma semaphore(%arg13 : memref<!tpu.dma_semaphore, #tpu.memory_space<semaphore_mem>>) src(%arg8 : memref<128x128xf32, #tpu.memory_space<vmem>>) dst(%dma_wait3A_403 : memref<10240x128xf32, #tpu.memory_space<vmem_shared>>)
      %dma_start3A_404 = arith.constant 14 : i32
      %dma_start3A_405 = arith.constant 0 : i32
      %dma_start3A_406 = tpu.memref_slice %arg7[%dma_start3A_404, %dma_start3A_405] : memref<16x128xi32, #tpu.memory_space<vmem>> -> memref<1x128xi32, #tpu.memory_space<vmem>>
      %dma_start3A_407 = tpu.memref_squeeze %dma_start3A_406 : memref<1x128xi32, #tpu.memory_space<vmem>> -> memref<128xi32, #tpu.memory_space<vmem>>
      %dma_start3A_408 = arith.constant 0 : i32
      %dma_start3A_409 = arith.constant 0 : i32
      %dma_start3A_410 = tpu.memref_slice %arg2[%dma_start3A_408, %dma_start3A_409] : memref<10240x128xf32, #tpu.memory_space<hbm>> -> memref<10240x128xf32, #tpu.memory_space<hbm>>
      tpu.enqueue_indirect_dma source(%dma_start3A_410 : memref<10240x128xf32, #tpu.memory_space<hbm>>) target(%arg8 : memref<128x128xf32, #tpu.memory_space<vmem>>) offsets(%dma_start3A_407 : memref<128xi32, #tpu.memory_space<vmem>>) semaphore(%arg11 : memref<!tpu.dma_semaphore, #tpu.memory_space<semaphore_mem>>)
      %dma_wait3A_411 = arith.constant 13 : i32
      %dma_wait3A_412 = arith.constant 0 : i32
      %dma_wait3A_413 = tpu.memref_slice %arg7[%dma_wait3A_411, %dma_wait3A_412] : memref<16x128xi32, #tpu.memory_space<vmem>> -> memref<1x128xi32, #tpu.memory_space<vmem>>
      %dma_wait3A_414 = tpu.memref_squeeze %dma_wait3A_413 : memref<1x128xi32, #tpu.memory_space<vmem>> -> memref<128xi32, #tpu.memory_space<vmem>>
      %dma_wait3A_415 = arith.constant 0 : i32
      %dma_wait3A_416 = arith.constant 0 : i32
      %dma_wait3A_417 = tpu.memref_slice %arg2[%dma_wait3A_415, %dma_wait3A_416] : memref<10240x128xf32, #tpu.memory_space<hbm>> -> memref<10240x128xf32, #tpu.memory_space<hbm>>
      tpu.wait_indirect_dma semaphore(%arg12 : memref<!tpu.dma_semaphore, #tpu.memory_space<semaphore_mem>>) src(%dma_wait3A_417 : memref<10240x128xf32, #tpu.memory_space<hbm>>) dst(%arg9 : memref<128x128xf32, #tpu.memory_space<vmem>>)
      %dma_start3A_418 = arith.constant 13 : i32
      %dma_start3A_419 = arith.constant 0 : i32
      %dma_start3A_420 = tpu.memref_slice %arg6[%dma_start3A_418, %dma_start3A_419] : memref<16x128xi32, #tpu.memory_space<vmem>> -> memref<1x128xi32, #tpu.memory_space<vmem>>
      %dma_start3A_421 = tpu.memref_squeeze %dma_start3A_420 : memref<1x128xi32, #tpu.memory_space<vmem>> -> memref<128xi32, #tpu.memory_space<vmem>>
      %dma_start3A_422 = arith.constant 0 : i32
      %dma_start3A_423 = arith.constant 0 : i32
      %dma_start3A_424 = tpu.memref_slice %arg10[%dma_start3A_422, %dma_start3A_423] : memref<10240x128xf32, #tpu.memory_space<vmem_shared>> -> memref<10240x128xf32, #tpu.memory_space<vmem_shared>>
      tpu.enqueue_indirect_dma source(%arg9 : memref<128x128xf32, #tpu.memory_space<vmem>>) target(%dma_start3A_424 : memref<10240x128xf32, #tpu.memory_space<vmem_shared>>) offsets(%dma_start3A_421 : memref<128xi32, #tpu.memory_space<vmem>>) semaphore(%arg14 : memref<!tpu.dma_semaphore, #tpu.memory_space<semaphore_mem>>) {add = true}
      %dma_wait3A_425 = arith.constant 13 : i32
      %dma_wait3A_426 = arith.constant 0 : i32
      %dma_wait3A_427 = tpu.memref_slice %arg6[%dma_wait3A_425, %dma_wait3A_426] : memref<16x128xi32, #tpu.memory_space<vmem>> -> memref<1x128xi32, #tpu.memory_space<vmem>>
      %dma_wait3A_428 = tpu.memref_squeeze %dma_wait3A_427 : memref<1x128xi32, #tpu.memory_space<vmem>> -> memref<128xi32, #tpu.memory_space<vmem>>
      %dma_wait3A_429 = arith.constant 0 : i32
      %dma_wait3A_430 = arith.constant 0 : i32
      %dma_wait3A_431 = tpu.memref_slice %arg10[%dma_wait3A_429, %dma_wait3A_430] : memref<10240x128xf32, #tpu.memory_space<vmem_shared>> -> memref<10240x128xf32, #tpu.memory_space<vmem_shared>>
      tpu.wait_indirect_dma semaphore(%arg14 : memref<!tpu.dma_semaphore, #tpu.memory_space<semaphore_mem>>) src(%arg9 : memref<128x128xf32, #tpu.memory_space<vmem>>) dst(%dma_wait3A_431 : memref<10240x128xf32, #tpu.memory_space<vmem_shared>>)
      %dma_start3A_432 = arith.constant 15 : i32
      %dma_start3A_433 = arith.constant 0 : i32
      %dma_start3A_434 = tpu.memref_slice %arg7[%dma_start3A_432, %dma_start3A_433] : memref<16x128xi32, #tpu.memory_space<vmem>> -> memref<1x128xi32, #tpu.memory_space<vmem>>
      %dma_start3A_435 = tpu.memref_squeeze %dma_start3A_434 : memref<1x128xi32, #tpu.memory_space<vmem>> -> memref<128xi32, #tpu.memory_space<vmem>>
      %dma_start3A_436 = arith.constant 0 : i32
      %dma_start3A_437 = arith.constant 0 : i32
      %dma_start3A_438 = tpu.memref_slice %arg2[%dma_start3A_436, %dma_start3A_437] : memref<10240x128xf32, #tpu.memory_space<hbm>> -> memref<10240x128xf32, #tpu.memory_space<hbm>>
      tpu.enqueue_indirect_dma source(%dma_start3A_438 : memref<10240x128xf32, #tpu.memory_space<hbm>>) target(%arg9 : memref<128x128xf32, #tpu.memory_space<vmem>>) offsets(%dma_start3A_435 : memref<128xi32, #tpu.memory_space<vmem>>) semaphore(%arg12 : memref<!tpu.dma_semaphore, #tpu.memory_space<semaphore_mem>>)
      %dma_wait3A_439 = arith.constant 14 : i32
      %dma_wait3A_440 = arith.constant 0 : i32
      %dma_wait3A_441 = tpu.memref_slice %arg7[%dma_wait3A_439, %dma_wait3A_440] : memref<16x128xi32, #tpu.memory_space<vmem>> -> memref<1x128xi32, #tpu.memory_space<vmem>>
      %dma_wait3A_442 = tpu.memref_squeeze %dma_wait3A_441 : memref<1x128xi32, #tpu.memory_space<vmem>> -> memref<128xi32, #tpu.memory_space<vmem>>
      %dma_wait3A_443 = arith.constant 0 : i32
      %dma_wait3A_444 = arith.constant 0 : i32
      %dma_wait3A_445 = tpu.memref_slice %arg2[%dma_wait3A_443, %dma_wait3A_444] : memref<10240x128xf32, #tpu.memory_space<hbm>> -> memref<10240x128xf32, #tpu.memory_space<hbm>>
      tpu.wait_indirect_dma semaphore(%arg11 : memref<!tpu.dma_semaphore, #tpu.memory_space<semaphore_mem>>) src(%dma_wait3A_445 : memref<10240x128xf32, #tpu.memory_space<hbm>>) dst(%arg8 : memref<128x128xf32, #tpu.memory_space<vmem>>)
      %dma_start3A_446 = arith.constant 14 : i32
      %dma_start3A_447 = arith.constant 0 : i32
      %dma_start3A_448 = tpu.memref_slice %arg6[%dma_start3A_446, %dma_start3A_447] : memref<16x128xi32, #tpu.memory_space<vmem>> -> memref<1x128xi32, #tpu.memory_space<vmem>>
      %dma_start3A_449 = tpu.memref_squeeze %dma_start3A_448 : memref<1x128xi32, #tpu.memory_space<vmem>> -> memref<128xi32, #tpu.memory_space<vmem>>
      %dma_start3A_450 = arith.constant 0 : i32
      %dma_start3A_451 = arith.constant 0 : i32
      %dma_start3A_452 = tpu.memref_slice %arg10[%dma_start3A_450, %dma_start3A_451] : memref<10240x128xf32, #tpu.memory_space<vmem_shared>> -> memref<10240x128xf32, #tpu.memory_space<vmem_shared>>
      tpu.enqueue_indirect_dma source(%arg8 : memref<128x128xf32, #tpu.memory_space<vmem>>) target(%dma_start3A_452 : memref<10240x128xf32, #tpu.memory_space<vmem_shared>>) offsets(%dma_start3A_449 : memref<128xi32, #tpu.memory_space<vmem>>) semaphore(%arg13 : memref<!tpu.dma_semaphore, #tpu.memory_space<semaphore_mem>>) {add = true}
      %dma_wait3A_453 = arith.constant 15 : i32
      %dma_wait3A_454 = arith.constant 0 : i32
      %dma_wait3A_455 = tpu.memref_slice %arg7[%dma_wait3A_453, %dma_wait3A_454] : memref<16x128xi32, #tpu.memory_space<vmem>> -> memref<1x128xi32, #tpu.memory_space<vmem>>
      %dma_wait3A_456 = tpu.memref_squeeze %dma_wait3A_455 : memref<1x128xi32, #tpu.memory_space<vmem>> -> memref<128xi32, #tpu.memory_space<vmem>>
      %dma_wait3A_457 = arith.constant 0 : i32
      %dma_wait3A_458 = arith.constant 0 : i32
      %dma_wait3A_459 = tpu.memref_slice %arg2[%dma_wait3A_457, %dma_wait3A_458] : memref<10240x128xf32, #tpu.memory_space<hbm>> -> memref<10240x128xf32, #tpu.memory_space<hbm>>
      tpu.wait_indirect_dma semaphore(%arg12 : memref<!tpu.dma_semaphore, #tpu.memory_space<semaphore_mem>>) src(%dma_wait3A_459 : memref<10240x128xf32, #tpu.memory_space<hbm>>) dst(%arg9 : memref<128x128xf32, #tpu.memory_space<vmem>>)
      %dma_start3A_460 = arith.constant 15 : i32
      %dma_start3A_461 = arith.constant 0 : i32
      %dma_start3A_462 = tpu.memref_slice %arg6[%dma_start3A_460, %dma_start3A_461] : memref<16x128xi32, #tpu.memory_space<vmem>> -> memref<1x128xi32, #tpu.memory_space<vmem>>
      %dma_start3A_463 = tpu.memref_squeeze %dma_start3A_462 : memref<1x128xi32, #tpu.memory_space<vmem>> -> memref<128xi32, #tpu.memory_space<vmem>>
      %dma_start3A_464 = arith.constant 0 : i32
      %dma_start3A_465 = arith.constant 0 : i32
      %dma_start3A_466 = tpu.memref_slice %arg10[%dma_start3A_464, %dma_start3A_465] : memref<10240x128xf32, #tpu.memory_space<vmem_shared>> -> memref<10240x128xf32, #tpu.memory_space<vmem_shared>>
      tpu.enqueue_indirect_dma source(%arg9 : memref<128x128xf32, #tpu.memory_space<vmem>>) target(%dma_start3A_466 : memref<10240x128xf32, #tpu.memory_space<vmem_shared>>) offsets(%dma_start3A_463 : memref<128xi32, #tpu.memory_space<vmem>>) semaphore(%arg14 : memref<!tpu.dma_semaphore, #tpu.memory_space<semaphore_mem>>) {add = true}
      %dma_wait3A_467 = arith.constant 14 : i32
      %dma_wait3A_468 = arith.constant 0 : i32
      %dma_wait3A_469 = tpu.memref_slice %arg6[%dma_wait3A_467, %dma_wait3A_468] : memref<16x128xi32, #tpu.memory_space<vmem>> -> memref<1x128xi32, #tpu.memory_space<vmem>>
      %dma_wait3A_470 = tpu.memref_squeeze %dma_wait3A_469 : memref<1x128xi32, #tpu.memory_space<vmem>> -> memref<128xi32, #tpu.memory_space<vmem>>
      %dma_wait3A_471 = arith.constant 0 : i32
      %dma_wait3A_472 = arith.constant 0 : i32
      %dma_wait3A_473 = tpu.memref_slice %arg10[%dma_wait3A_471, %dma_wait3A_472] : memref<10240x128xf32, #tpu.memory_space<vmem_shared>> -> memref<10240x128xf32, #tpu.memory_space<vmem_shared>>
      tpu.wait_indirect_dma semaphore(%arg13 : memref<!tpu.dma_semaphore, #tpu.memory_space<semaphore_mem>>) src(%arg8 : memref<128x128xf32, #tpu.memory_space<vmem>>) dst(%dma_wait3A_473 : memref<10240x128xf32, #tpu.memory_space<vmem_shared>>)
      %dma_wait3A_474 = arith.constant 15 : i32
      %dma_wait3A_475 = arith.constant 0 : i32
      %dma_wait3A_476 = tpu.memref_slice %arg6[%dma_wait3A_474, %dma_wait3A_475] : memref<16x128xi32, #tpu.memory_space<vmem>> -> memref<1x128xi32, #tpu.memory_space<vmem>>
      %dma_wait3A_477 = tpu.memref_squeeze %dma_wait3A_476 : memref<1x128xi32, #tpu.memory_space<vmem>> -> memref<128xi32, #tpu.memory_space<vmem>>
      %dma_wait3A_478 = arith.constant 0 : i32
      %dma_wait3A_479 = arith.constant 0 : i32
      %dma_wait3A_480 = tpu.memref_slice %arg10[%dma_wait3A_478, %dma_wait3A_479] : memref<10240x128xf32, #tpu.memory_space<vmem_shared>> -> memref<10240x128xf32, #tpu.memory_space<vmem_shared>>
      tpu.wait_indirect_dma semaphore(%arg14 : memref<!tpu.dma_semaphore, #tpu.memory_space<semaphore_mem>>) src(%arg9 : memref<128x128xf32, #tpu.memory_space<vmem>>) dst(%dma_wait3A_480 : memref<10240x128xf32, #tpu.memory_space<vmem_shared>>)
      %scan3A_481 = arith.constant 0 : i32
      scf.yield %scan3A_481 : i32
    }
    %scan3A_20 = arith.constant 5 : i32
    %barrier3A_21 = arith.constant 0 : index
    tpu.barrier barrier_id(%barrier3A_21)
    %scan3A_22 = arith.constant 0 : i32
    %scan3A_23 = arith.constant 0 : i32
    %scan3A_24 = arith.constant 5 : i32
    %scan3A_25 = arith.addi %scan3A_23, %scan3A_24 : i32
    %scan3A_26 = arith.constant 1 : i32
    %scan3A_27 = scf.for %scan3A_29 = %scan3A_23 to %scan3A_25 step %scan3A_26 iter_args(%scan3A_30 = %scan3A_22) -> (i32)  : i32 {
      %mul3A_31 = arith.constant 640 : i32
      %mul3A_32 = arith.muli %arg1, %mul3A_31 : i32
      %mul3A_33 = arith.constant 128 : i32
      %mul3A_34 = arith.muli %scan3A_29, %mul3A_33 : i32
      %add3A_35 = arith.addi %mul3A_32, %mul3A_34 : i32
      "tpu.region"() ({
        %run_scoped3A = tpu.sem_alloc : memref<!tpu.dma_semaphore, #tpu.memory_space<semaphore_mem>>
        %dma_start3A = arith.constant 0 : i32
        %dma_start3A_42 = tpu.memref_slice %arg10[%add3A_35, %dma_start3A] : memref<10240x128xf32, #tpu.memory_space<vmem_shared>> -> memref<128x128xf32, #tpu.memory_space<vmem_shared>>
        %dma_start3A_43 = arith.constant 0 : i32
        %dma_start3A_44 = tpu.memref_slice %arg10[%add3A_35, %dma_start3A_43] : memref<10240x128xf32, #tpu.memory_space<vmem_shared>> -> memref<128x128xf32, #tpu.memory_space<vmem_shared>>
        tpu.enqueue_dma source(%dma_start3A_44 : memref<128x128xf32, #tpu.memory_space<vmem_shared>>) target(%arg8 : memref<128x128xf32, #tpu.memory_space<vmem>>) target_semaphore(%run_scoped3A : memref<!tpu.dma_semaphore, #tpu.memory_space<semaphore_mem>>)
        %dma_wait3A = arith.constant 0 : i32
        %dma_wait3A_45 = tpu.memref_slice %arg10[%add3A_35, %dma_wait3A] : memref<10240x128xf32, #tpu.memory_space<vmem_shared>> -> memref<128x128xf32, #tpu.memory_space<vmem_shared>>
        %dma_wait3A_46 = arith.constant 0 : i32
        %dma_wait3A_47 = tpu.memref_slice %arg10[%add3A_35, %dma_wait3A_46] : memref<10240x128xf32, #tpu.memory_space<vmem_shared>> -> memref<128x128xf32, #tpu.memory_space<vmem_shared>>
        tpu.wait_dma2 semaphore(%run_scoped3A : memref<!tpu.dma_semaphore, #tpu.memory_space<semaphore_mem>>) src(%dma_wait3A_47 : memref<128x128xf32, #tpu.memory_space<vmem_shared>>) dst(%arg8 : memref<128x128xf32, #tpu.memory_space<vmem>>)
        tpu.yield
      }) : () -> ()
      %mul3A_36 = arith.constant 640 : i32
      %mul3A_37 = arith.muli %arg1, %mul3A_36 : i32
      %mul3A_38 = arith.constant 128 : i32
      %mul3A_39 = arith.muli %scan3A_29, %mul3A_38 : i32
      %add3A_40 = arith.addi %mul3A_37, %mul3A_39 : i32
      "tpu.region"() ({
        %run_scoped3A = tpu.sem_alloc : memref<!tpu.dma_semaphore, #tpu.memory_space<semaphore_mem>>
        %dma_start3A = arith.constant 0 : i32
        %dma_start3A_42 = tpu.memref_slice %arg5[%arg0, %add3A_40, %dma_start3A] : memref<2x10240x128xf32, #tpu.memory_space<hbm>> -> memref<1x128x128xf32, #tpu.memory_space<hbm>>
        %dma_start3A_43 = tpu.memref_squeeze %dma_start3A_42 : memref<1x128x128xf32, #tpu.memory_space<hbm>> -> memref<128x128xf32, #tpu.memory_space<hbm>>
        %dma_start3A_44 = arith.constant 0 : i32
        %dma_start3A_45 = tpu.memref_slice %arg5[%arg0, %add3A_40, %dma_start3A_44] : memref<2x10240x128xf32, #tpu.memory_space<hbm>> -> memref<1x128x128xf32, #tpu.memory_space<hbm>>
        %dma_start3A_46 = tpu.memref_squeeze %dma_start3A_45 : memref<1x128x128xf32, #tpu.memory_space<hbm>> -> memref<128x128xf32, #tpu.memory_space<hbm>>
        tpu.enqueue_dma source(%arg8 : memref<128x128xf32, #tpu.memory_space<vmem>>) target(%dma_start3A_46 : memref<128x128xf32, #tpu.memory_space<hbm>>) target_semaphore(%run_scoped3A : memref<!tpu.dma_semaphore, #tpu.memory_space<semaphore_mem>>)
        %dma_wait3A = arith.constant 0 : i32
        %dma_wait3A_47 = tpu.memref_slice %arg5[%arg0, %add3A_40, %dma_wait3A] : memref<2x10240x128xf32, #tpu.memory_space<hbm>> -> memref<1x128x128xf32, #tpu.memory_space<hbm>>
        %dma_wait3A_48 = tpu.memref_squeeze %dma_wait3A_47 : memref<1x128x128xf32, #tpu.memory_space<hbm>> -> memref<128x128xf32, #tpu.memory_space<hbm>>
        %dma_wait3A_49 = arith.constant 0 : i32
        %dma_wait3A_50 = tpu.memref_slice %arg5[%arg0, %add3A_40, %dma_wait3A_49] : memref<2x10240x128xf32, #tpu.memory_space<hbm>> -> memref<1x128x128xf32, #tpu.memory_space<hbm>>
        %dma_wait3A_51 = tpu.memref_squeeze %dma_wait3A_50 : memref<1x128x128xf32, #tpu.memory_space<hbm>> -> memref<128x128xf32, #tpu.memory_space<hbm>>
        tpu.wait_dma2 semaphore(%run_scoped3A : memref<!tpu.dma_semaphore, #tpu.memory_space<semaphore_mem>>) src(%arg8 : memref<128x128xf32, #tpu.memory_space<vmem>>) dst(%dma_wait3A_51 : memref<128x128xf32, #tpu.memory_space<hbm>>)
        tpu.yield
      }) : () -> ()
      %scan3A_41 = arith.constant 0 : i32
      scf.yield %scan3A_41 : i32
    }
    %scan3A_28 = arith.constant 5 : i32
    return
  }
}

module attributes {stable_mosaic.version = 14 : i64} {
  func.func @_mm_body(%arg0: i32, %arg1: memref<1024x128xf32, #tpu.memory_space<vmem>>, %arg2: memref<128x128xf32, #tpu.memory_space<vmem>>, %arg3: memref<1024x128xf32, #tpu.memory_space<vmem>>) attributes {dimension_semantics = [#tpu.dimension_semantics<arbitrary>], iteration_bounds = array<i64: 10>, scalar_prefetch = 0 : i64, scratch_operands = 0 : i64, tpu.core_type = #tpu.core_type<tc>, window_params = [{transform_indices = @transform_0, window_bounds = array<i64: 1024, 128>}, {pipeline_mode = #tpu.pipeline_mode<synchronous>, transform_indices = @transform_1, window_bounds = array<i64: 128, 128>}, {transform_indices = @transform_2, window_bounds = array<i64: 1024, 128>}]} {
    %get3A = arith.constant 0 : index
    %get3A_0 = arith.constant 0 : index
    %get3A_1 = vector.load %arg1[%get3A, %get3A_0] : memref<1024x128xf32, #tpu.memory_space<vmem>>, vector<1024x128xf32>
    %get3A_2 = arith.constant 0 : index
    %get3A_3 = arith.constant 0 : index
    %get3A_4 = vector.load %arg2[%get3A_2, %get3A_3] : memref<128x128xf32, #tpu.memory_space<vmem>>, vector<128x128xf32>
    %dot_general3A = arith.constant dense<0.000000e+00> : vector<1024x128xf32>
    %dot_general3A_5 = tpu.matmul %get3A_1, %get3A_4, %dot_general3A {dimension_numbers = #tpu.dot_dimension_numbers<[1], [0], [0], [1], [0, 0, 1, 1], [], []>, transpose_lhs_hint = false} : vector<1024x128xf32>, vector<128x128xf32>, vector<1024x128xf32> -> vector<1024x128xf32>
    %swap3A = arith.constant 0 : index
    %swap3A_6 = arith.constant 0 : index
    %swap3A_7 = vector.load %arg3[%swap3A, %swap3A_6] : memref<1024x128xf32, #tpu.memory_space<vmem>>, vector<1024x128xf32>
    tpu.vector_store %arg3[%swap3A, %swap3A_6], %dot_general3A_5 {strides = array<i32>} : memref<1024x128xf32, #tpu.memory_space<vmem>>, vector<1024x128xf32>,
    return
  }
  func.func @transform_0(%arg0: i32) -> (i32, i32) {
    %c0_i32 = arith.constant 0 : i32
    %c0_i32_0 = arith.constant 0 : i32
    return %arg0, %c0_i32 : i32, i32
  }
  func.func @transform_1(%arg0: i32) -> (i32, i32) {
    %c0_i32 = arith.constant 0 : i32
    %c0_i32_0 = arith.constant 0 : i32
    %c0_i32_1 = arith.constant 0 : i32
    return %c0_i32, %c0_i32_0 : i32, i32
  }
  func.func @transform_2(%arg0: i32) -> (i32, i32) {
    %c0_i32 = arith.constant 0 : i32
    %c0_i32_0 = arith.constant 0 : i32
    return %arg0, %c0_i32 : i32, i32
  }
}

module attributes {stable_mosaic.version = 14 : i64} {
  func.func @_scale_body(%arg0: i32, %arg1: memref<1024x128xf32, #tpu.memory_space<vmem>>, %arg2: memref<2x10240xf32, #tpu.memory_space<vmem>>, %arg3: memref<1024x128xf32, #tpu.memory_space<vmem>>) attributes {dimension_semantics = [#tpu.dimension_semantics<arbitrary>], iteration_bounds = array<i64: 10>, scalar_prefetch = 0 : i64, scratch_operands = 0 : i64, tpu.core_type = #tpu.core_type<tc>, window_params = [{transform_indices = @transform_0, window_bounds = array<i64: 1024, 128>}, {pipeline_mode = #tpu.pipeline_mode<synchronous>, transform_indices = @transform_1, window_bounds = array<i64: 2, 10240>}, {transform_indices = @transform_2, window_bounds = array<i64: 1024, 128>}]} {
    %mul3A = arith.constant 1024 : i32
    %mul3A_0 = arith.muli %arg0, %mul3A : i32
    %get3A = arith.constant 0 : index
    %get3A_1 = arith.index_cast %mul3A_0 : i32 to index
    %get3A_2 = vector.load %arg2[%get3A, %get3A_1] : memref<2x10240xf32, #tpu.memory_space<vmem>>, vector<1x1024xf32>
    %get3A_3 = vector.shape_cast %get3A_2 : vector<1x1024xf32> to vector<1024xf32>
    %mul3A_4 = arith.constant 1024 : i32
    %mul3A_5 = arith.muli %arg0, %mul3A_4 : i32
    %get3A_6 = arith.constant 1 : index
    %get3A_7 = arith.index_cast %mul3A_5 : i32 to index
    %get3A_8 = vector.load %arg2[%get3A_6, %get3A_7] : memref<2x10240xf32, #tpu.memory_space<vmem>>, vector<1x1024xf32>
    %get3A_9 = vector.shape_cast %get3A_8 : vector<1x1024xf32> to vector<1024xf32>
    %add3A = arith.addf %get3A_3, %get3A_9 : vector<1024xf32>
    %add3A_10 = arith.constant 1.000000e+00 : f32
    %add3A_11 = vector.broadcast %add3A_10 : f32 to vector<1024xf32>
    %add3A_12 = arith.addf %add3A, %add3A_11 : vector<1024xf32>
    %rsqrt3A = math.rsqrt %add3A_12 : vector<1024xf32>
    %broadcast_in_dim3A = vector.shape_cast %rsqrt3A : vector<1024xf32> to vector<1024x1xf32>
    %get3A_13 = arith.constant 0 : index
    %get3A_14 = arith.constant 0 : index
    %get3A_15 = vector.load %arg1[%get3A_13, %get3A_14] : memref<1024x128xf32, #tpu.memory_space<vmem>>, vector<1024x128xf32>
    %mul3A_16 = vector.broadcast %broadcast_in_dim3A : vector<1024x1xf32> to vector<1024x128xf32>
    %mul3A_17 = arith.mulf %mul3A_16, %get3A_15 : vector<1024x128xf32>
    %swap3A = arith.constant 0 : index
    %swap3A_18 = arith.constant 0 : index
    %swap3A_19 = vector.load %arg3[%swap3A, %swap3A_18] : memref<1024x128xf32, #tpu.memory_space<vmem>>, vector<1024x128xf32>
    tpu.vector_store %arg3[%swap3A, %swap3A_18], %mul3A_17 {strides = array<i32>} : memref<1024x128xf32, #tpu.memory_space<vmem>>, vector<1024x128xf32>,
    return
  }
  func.func @transform_0(%arg0: i32) -> (i32, i32) {
    %c0_i32 = arith.constant 0 : i32
    %c0_i32_0 = arith.constant 0 : i32
    return %arg0, %c0_i32 : i32, i32
  }
  func.func @transform_1(%arg0: i32) -> (i32, i32) {
    %c0_i32 = arith.constant 0 : i32
    %c0_i32_0 = arith.constant 0 : i32
    %c0_i32_1 = arith.constant 0 : i32
    return %c0_i32, %c0_i32_0 : i32, i32
  }
  func.func @transform_2(%arg0: i32) -> (i32, i32) {
    %c0_i32 = arith.constant 0 : i32
    %c0_i32_0 = arith.constant 0 : i32
    return %arg0, %c0_i32 : i32, i32
  }
}

module attributes {stable_mosaic.version = 14 : i64} {
  func.func @_fin_body(%arg0: i32, %arg1: memref<1024x128xf32, #tpu.memory_space<vmem>>, %arg2: memref<2x1024x128xf32, #tpu.memory_space<vmem>>, %arg3: memref<2x10240xf32, #tpu.memory_space<vmem>>, %arg4: memref<128xf32, #tpu.memory_space<vmem>>, %arg5: memref<1024x128xf32, #tpu.memory_space<vmem>>) attributes {dimension_semantics = [#tpu.dimension_semantics<arbitrary>], iteration_bounds = array<i64: 10>, scalar_prefetch = 0 : i64, scratch_operands = 0 : i64, tpu.core_type = #tpu.core_type<tc>, window_params = [{transform_indices = @transform_0, window_bounds = array<i64: 1024, 128>}, {transform_indices = @transform_1, window_bounds = array<i64: 2, 1024, 128>}, {pipeline_mode = #tpu.pipeline_mode<synchronous>, transform_indices = @transform_2, window_bounds = array<i64: 2, 10240>}, {pipeline_mode = #tpu.pipeline_mode<synchronous>, transform_indices = @transform_3, window_bounds = array<i64: 128>}, {transform_indices = @transform_4, window_bounds = array<i64: 1024, 128>}]} {
    %mul3A = arith.constant 1024 : i32
    %mul3A_0 = arith.muli %arg0, %mul3A : i32
    %get3A = arith.constant 0 : index
    %get3A_1 = arith.index_cast %mul3A_0 : i32 to index
    %get3A_2 = vector.load %arg3[%get3A, %get3A_1] : memref<2x10240xf32, #tpu.memory_space<vmem>>, vector<1x1024xf32>
    %get3A_3 = vector.shape_cast %get3A_2 : vector<1x1024xf32> to vector<1024xf32>
    %mul3A_4 = arith.constant 1024 : i32
    %mul3A_5 = arith.muli %arg0, %mul3A_4 : i32
    %get3A_6 = arith.constant 1 : index
    %get3A_7 = arith.index_cast %mul3A_5 : i32 to index
    %get3A_8 = vector.load %arg3[%get3A_6, %get3A_7] : memref<2x10240xf32, #tpu.memory_space<vmem>>, vector<1x1024xf32>
    %get3A_9 = vector.shape_cast %get3A_8 : vector<1x1024xf32> to vector<1024xf32>
    %add3A = arith.addf %get3A_3, %get3A_9 : vector<1024xf32>
    %add3A_10 = arith.constant 1.000000e+00 : f32
    %add3A_11 = vector.broadcast %add3A_10 : f32 to vector<1024xf32>
    %add3A_12 = arith.addf %add3A, %add3A_11 : vector<1024xf32>
    %rsqrt3A = math.rsqrt %add3A_12 : vector<1024xf32>
    %get3A_13 = arith.constant 0 : index
    %get3A_14 = arith.constant 0 : index
    %get3A_15 = vector.load %arg1[%get3A_13, %get3A_14] : memref<1024x128xf32, #tpu.memory_space<vmem>>, vector<1024x128xf32>
    %get3A_16 = arith.constant 0 : index
    %get3A_17 = arith.constant 0 : index
    %get3A_18 = arith.constant 0 : index
    %get3A_19 = vector.load %arg2[%get3A_16, %get3A_17, %get3A_18] : memref<2x1024x128xf32, #tpu.memory_space<vmem>>, vector<1x1024x128xf32>
    %get3A_20 = vector.shape_cast %get3A_19 : vector<1x1024x128xf32> to vector<1024x128xf32>
    %add3A_21 = arith.addf %get3A_15, %get3A_20 : vector<1024x128xf32>
    %get3A_22 = arith.constant 1 : index
    %get3A_23 = arith.constant 0 : index
    %get3A_24 = arith.constant 0 : index
    %get3A_25 = vector.load %arg2[%get3A_22, %get3A_23, %get3A_24] : memref<2x1024x128xf32, #tpu.memory_space<vmem>>, vector<1x1024x128xf32>
    %get3A_26 = vector.shape_cast %get3A_25 : vector<1x1024x128xf32> to vector<1024x128xf32>
    %add3A_27 = arith.addf %add3A_21, %get3A_26 : vector<1024x128xf32>
    %broadcast_in_dim3A = vector.shape_cast %rsqrt3A : vector<1024xf32> to vector<1024x1xf32>
    %mul3A_28 = vector.broadcast %broadcast_in_dim3A : vector<1024x1xf32> to vector<1024x128xf32>
    %mul3A_29 = arith.mulf %mul3A_28, %add3A_27 : vector<1024x128xf32>
    %get3A_30 = arith.constant 0 : index
    %get3A_31 = vector.load %arg4[%get3A_30] : memref<128xf32, #tpu.memory_space<vmem>>, vector<128xf32>
    %broadcast_in_dim3A_32 = vector.shape_cast %get3A_31 : vector<128xf32> to vector<1x128xf32>
    %add3A_33 = vector.broadcast %broadcast_in_dim3A_32 : vector<1x128xf32> to vector<1024x128xf32>
    %add3A_34 = arith.addf %mul3A_29, %add3A_33 : vector<1024x128xf32>
    %swap3A = arith.constant 0 : index
    %swap3A_35 = arith.constant 0 : index
    %swap3A_36 = vector.load %arg5[%swap3A, %swap3A_35] : memref<1024x128xf32, #tpu.memory_space<vmem>>, vector<1024x128xf32>
    tpu.vector_store %arg5[%swap3A, %swap3A_35], %add3A_34 {strides = array<i32>} : memref<1024x128xf32, #tpu.memory_space<vmem>>, vector<1024x128xf32>,
    return
  }
  func.func @transform_0(%arg0: i32) -> (i32, i32) {
    %c0_i32 = arith.constant 0 : i32
    %c0_i32_0 = arith.constant 0 : i32
    return %arg0, %c0_i32 : i32, i32
  }
  func.func @transform_1(%arg0: i32) -> (i32, i32, i32) {
    %c0_i32 = arith.constant 0 : i32
    %c0_i32_0 = arith.constant 0 : i32
    %c0_i32_1 = arith.constant 0 : i32
    return %c0_i32, %arg0, %c0_i32_0 : i32, i32, i32
  }
  func.func @transform_2(%arg0: i32) -> (i32, i32) {
    %c0_i32 = arith.constant 0 : i32
    %c0_i32_0 = arith.constant 0 : i32
    %c0_i32_1 = arith.constant 0 : i32
    return %c0_i32, %c0_i32_0 : i32, i32
  }
  func.func @transform_3(%arg0: i32) -> i32 {
    %c0_i32 = arith.constant 0 : i32
    %c0_i32_0 = arith.constant 0 : i32
    return %c0_i32 : i32
  }
  func.func @transform_4(%arg0: i32) -> (i32, i32) {
    %c0_i32 = arith.constant 0 : i32
    %c0_i32_0 = arith.constant 0 : i32
    return %arg0, %c0_i32 : i32, i32
  }
}

</mosaic_0001>

<sc_bundles>
// kernel: kernel.10.cloned.1.call-start
scs
__scs_entry_jumppad:
0x0: {  	(pc) =	sbr.rel $0x88, $3  }
0x1: {  	(tag) =	ssettag $0x0;
	lr =	simm.s32 $0x1  }
0x2: {  	[smem:$0x3F9D] =	sst lr;
	_ =	strace $0xD0000000  }
0x3: {  	_ = 	snop  }
0x4: {  	_ = 	snop  }
0x5: {  	_ = 	snop  }
0x6: {  	_ = 	snop  }
0x7: {  	_ = 	snop  }
__scs_overlays_trampoline_lowered:
0x8: {  	[smem:$0x3FAC] =	sst s0  }
0x9: {  	[smem:$0x3FAD] =	sst s1  }
0xa: {  	[smem:$0x3FAE] =	sst s2  }
0xb: {  	[smem:$0x3FAF] =	sst s3  }
0xc: {  	[smem:$0x3FB0] =	sst s4  }
0xd: {  	[smem:$0x3FB1] =	sst s5  }
0xe: {  	[smem:$0x3FB2] =	sst s6  }
0xf: {  	[smem:$0x3FB3] =	sst s7  }
0x10: {  	[smem:$0x3FB4] =	sst s8  }
0x11: {  	[smem:$0x3FB5] =	sst s9;
	s0 =	simm.s32 @!p0 $0x0  }
0x12: {  	s1 =	sld [smem:$0x3F9B];
	s0 =	simm.s32 @p0 $0x1  }
0x13: {  	[smem:$0x3FB6] =	sst s0;
	s0 =	simm.s32 @!p1 $0x0  }
0x14: {  	s2 =	sld [smem:$0x3F9A];
	s0 =	simm.s32 @p1 $0x1  }
0x15: {  	[smem:$0x3FB7] =	sst s0;
	s0 =	simm.s32 @!p2 $0x0  }
0x16: {  	s3 =	sld [smem:$0x3FDB];
	s0 =	simm.s32 @p2 $0x1  }
0x17: {  	s4 =	simm.s32 $0x1BF5;
	[smem:$0x3FB9] =	sst s0  }
0x18: {  	s0 =	sld [smem:$0x3F9C];
	_ =	swait.ge [sflag:s4], $0x0  }
0x19: {  	s7 =	sld [smem:$0x3F9D]  }
0x1a: {  	s8 =	sadd.s32 $0xFFFFE003, lr  }
0x1b: {  	s9 =	sadd.s32 $0xFFFFFEF7, lr;
	s5 =	simm.s32 $0xFFFFFFFF;
	p2 =	slt.u32 s8, $0xFFFFF086  }
0x1c: {  	p1 =	slt.u32 s9, $0xF7A;
	s5 =	simm.s32 @!p2 $0x0  }
0x1d: {  	s5 =	simm.s32 @p1 $0x1;
	p0 =	seq.s32 s7, s2  }
0x1e: {  	s7 =	smul.u32 @!p0 $0xF7A, s2;
	p2 =	seq.s32 @!p0 s5, $0x0  }
0x1f: {  	s9 =	smul.u32 $0xF7A, s1;
	s8 =	simm.s32 @!p0 $0x1BF5;
	p2 =	por !p2, p0  }
0x20: {  	[sflag:s8] =	ssyncset.s32 @!p0 $0xFFFFF086;
	s6 =	sadd.s32 @!p0 s3, s7;
	s7 =	simm.s32 @!p0 $0x108  }
0x21: {  	s3 =	sadd.s32 s3, s9;
	s6 =	sadd.s32 @!p0 $0x88, s6;
	s7 =	simm.s32 @p2 $0x1082  }
0x22: {  	[simem:s7], [sflag:s8] =	dma.local @!p0 [hbm:s6], $0xF7A  }
0x23: {  	s9 =	sor.u32 $0xD0000000, s2;
	s6 =	simm.s32 $0x108;
	_ =	swait.ge @!p0 [sflag:s8], $0x0  }
0x24: {  	s3 =	sadd.s32 $0x88, s3;
	s6 =	simm.s32 @!p1 $0x1082;
	[sflag:s4] =	ssyncset.s32 $0xFFFFF086  }
0x25: {  	[simem:s6], [sflag:s4] =	dma.local [hbm:s3], $0xF7A  }
0x26: {  	[smem:$0x3F9D] =	sst s1;
	(tag) =	ssettag s2;
	_ =	strace s9  }
0x27: {  	s1 =	sld [smem:$0x3FAD]  }
0x28: {  	s2 =	sld [smem:$0x3FAE]  }
0x29: {  	s4 =	sld [smem:$0x3FB0]  }
0x2a: {  	p0 =	seq.s32 s5, $0x0;
	s5 =	sld [smem:$0x3FB1]  }
0x2b: {  	s6 =	sld [smem:$0x3FB2]  }
0x2c: {  	s7 =	sld [smem:$0x3FB3]  }
0x2d: {  	s3 =	simm.s32 $0x108;
	s8 =	sld [smem:$0x3FB4]  }
0x2e: {  	s3 =	simm.s32 @!p0 $0x1082;
	s9 =	sld [smem:$0x3FB5]  }
0x2f: {  	lr =	sadd.s32 s0, s3;
	s0 =	sld [smem:$0x3FAC]  }
0x30: {  	s3 =	sld [smem:$0x3FAF]  }
0x31: {  	[smem:$0x3FB8] =	sst s10  }
0x32: {  	s10 =	sld [smem:$0x3FB6];
	_ =	sdelay $0x3  }
0x33: {  	p0 =	seq.s32 s10, $0x1;
	s10 =	sld [smem:$0x3FB8];
	_ =	sdelay $0x3  }
0x34: {  	[smem:$0x3FB8] =	sst s10  }
0x35: {  	s10 =	sld [smem:$0x3FB7];
	_ =	sdelay $0x3  }
0x36: {  	p1 =	seq.s32 s10, $0x1;
	s10 =	sld [smem:$0x3FB8];
	_ =	sdelay $0x3  }
0x37: {  	[smem:$0x3FB8] =	sst s10  }
0x38: {  	s10 =	sld [smem:$0x3FB9]  }
0x39: {  	_ = 	snop;
	(pc) =	sbr.ind lr, $3  }
0x3a: {  	_ = 	snop  }
0x3b: {  	_ = 	snop  }
0x3c: {  	p2 =	seq.s32 s10, $0x1;
	s10 =	sld [smem:$0x3FB8]  }
0x3d: {  	_ =	shalt  }
0x3e: {  	_ =	shalt  }
0x3f: {  	_ =	shalt  }
0x40: {  	_ =	shalt  }
0x41: {  	_ =	shalt  }
0x42: {  	_ =	shalt  }
0x43: {  	_ =	shalt  }
0x44: {  	_ =	shalt  }
0x45: {  	_ =	shalt  }
0x46: {  	_ =	shalt  }
0x47: {  	_ =	shalt  }
0x48: {  	_ =	shalt  }
0x49: {  	_ =	shalt  }
0x4a: {  	_ =	shalt  }
0x4b: {  	_ =	shalt  }
0x4c: {  	_ =	shalt  }
0x4d: {  	_ =	shalt  }
0x4e: {  	_ =	shalt  }
0x4f: {  	_ =	shalt  }
0x50: {  	_ =	shalt  }
0x51: {  	_ =	shalt  }
0x52: {  	_ =	shalt  }
0x53: {  	_ =	shalt  }
0x54: {  	_ =	shalt  }
0x55: {  	_ =	shalt  }
0x56: {  	_ =	shalt  }
0x57: {  	_ =	shalt  }
0x58: {  	_ =	shalt  }
0x59: {  	_ =	shalt  }
0x5a: {  	_ =	shalt  }
0x5b: {  	_ =	shalt  }
0x5c: {  	_ =	shalt  }
0x5d: {  	_ =	shalt  }
0x5e: {  	_ =	shalt  }
0x5f: {  	_ =	shalt  }
0x60: {  	_ =	shalt  }
0x61: {  	_ =	shalt  }
0x62: {  	_ =	shalt  }
0x63: {  	_ =	shalt  }
0x64: {  	_ =	shalt  }
0x65: {  	_ =	shalt  }
0x66: {  	_ =	shalt  }
0x67: {  	_ =	shalt  }
0x68: {  	_ =	shalt  }
0x69: {  	_ =	shalt  }
0x6a: {  	_ =	shalt  }
0x6b: {  	_ =	shalt  }
0x6c: {  	_ =	shalt  }
0x6d: {  	_ =	shalt  }
0x6e: {  	_ =	shalt  }
0x6f: {  	_ =	shalt  }
0x70: {  	_ =	shalt  }
0x71: {  	_ =	shalt  }
0x72: {  	_ =	shalt  }
0x73: {  	_ =	shalt  }
0x74: {  	_ =	shalt  }
0x75: {  	_ =	shalt  }
0x76: {  	_ =	shalt  }
0x77: {  	_ =	shalt  }
0x78: {  	_ =	shalt  }
0x79: {  	_ =	shalt  }
0x7a: {  	_ =	shalt  }
0x7b: {  	_ =	shalt  }
0x7c: {  	_ =	shalt  }
0x7d: {  	_ =	shalt  }
0x7e: {  	_ =	shalt  }
0x7f: {  	_ =	shalt  }
0x80: {  	_ =	shalt  }
0x81: {  	_ =	shalt  }
0x82: {  	_ =	shalt  }
0x83: {  	_ =	shalt  }
0x84: {  	_ =	shalt  }
0x85: {  	_ =	shalt  }
0x86: {  	_ =	shalt  }
0x87: {  	_ =	shalt  }
.Lfunc_end0:
.L_simem_size_0:
called_computation.1_lowered:
.L_overlay_start_0:
0x88: {  	s2 =	sld [smem:$0x3FD9]  }
0x89: {  	s3 =	sld [smem:$0x3FFE];
	_ =	sdelay $0x1  }
0x8a: {  	s1 =	srdreg.scid  }
0x8b: {  	s0 =	sand.u32 $0x1, s1  }
0x8c: {  	s17 =	sshll.u32 s0, $0xA;
	s2 =	sadd.s32 s3, s2  }
0x8d: {  	s2 =	sadd.s32 s2, s17  }
0x8e: {  	[smem:$0x3FC4] =	sst s2  }
0x8f: {  	_ = 	snop  }
0x90: {  	s2 =	sld [smem:$0x3FD0];
	(tm) =	ssettm $0x1  }
0x91: {  	s18 =	sld [smem:$0x3FFB];
	_ =	sdelay $0x3  }
0x92: {  	_ =	strace s18  }
0x93: {  	s3 =	sld [smem:$0x3FFC];
	_ =	sdelay $0x3  }
0x94: {  	_ =	strace s3  }
0x95: {  	s3 =	sld [smem:$0x3FFD];
	_ =	sdelay $0x3  }
0x96: {  	_ =	strace s3  }
0x97: {  	_ =	strace $0x8FFFFFFF  }
0x98: {  	s19 =	sld [smem:$0x3FDB];
	_ =	sdelay $0x1  }
0x99: {  	s4 =	simm.s32 $_scs_section_size  }
0x9a: {  	s5 =	simm.s32 $_size__tile_overlayer_lowered;
	s6 =	simm.s32 $_tile_overlayer_lowered  }
0x9b: {  	s22 =	simm.s32 $0x1BFF;
	s21 =	sshll.u32 s6, $0x1;
	s3 =	sadd.s32 s4, s19  }
0x9c: {  	s7 =	simm.s32 $0x0;
	s20 =	sshll.u32 s5, $0x1;
	s5 =	sadd.s32 s21, s3  }
0x9d: {  	[timem:s7], [sflag:s22] =	dma.local [hbm:s5], s20  }
0x9e: {  	_ =	swait.ge [sflag:s22], s20  }
0x9f: {  	s4 =	ssub.s32 $0x0, s20;
	[sflag:s22] =	ssyncset.done $0x0  }
0xa0: {  	[sflag:s22] =	ssyncadd.s32 s4;
	_ =	sdelay $0x1  }
0xa1: {  	s23 =	simm.s32 $0x1B8B  }
0xa2: {  	_ =	swait.ge [sflag:s23], $0x1  }
0xa3: {  	[sflag:s23] =	ssyncset.done $0x0  }
0xa4: {  	s25 =	simm.s32 $0x1B8E;
	s24 =	sld [smem:$0x3FFE];
	[sflag:s23] =	ssyncadd.s32 $0xFFFFFFFF  }
0xa5: {  	s26 =	simm.s32 $execute0_lowered;
	[smem:$0x3FD2] =	sst s25  }
0xa6: {  	s5 =	sshll.u32 s26, $0x1;
	_ =	strace $0x80000049;
	[dreg:$0x1] =	wrdreg $0xFFFFFFFF  }
0xa7: {  	s28 =	simm.s32 $_size_execute0_lowered;
	s3 =	sadd.s32 s3, s5;
	[dreg:$0x0] =	wrdreg $0x0  }
0xa8: {  	s5 =	sshll.u32 s28, $0x1;
	[dreg:$0x2] =	wrdreg s3  }
0xa9: {  	[dreg:$0x3] =	wrdreg s5  }
0xaa: {  	[dreg:$0x4] =	wrdreg $0xC0  }
0xab: {  	_ =	task [dreg:s7], $0x5FFFF  }
0xac: {  	[dreg:$0x1] =	wrdreg $0xFFFFFFFF  }
0xad: {  	[dreg:$0x0] =	wrdreg $0x60  }
0xae: {  	[dreg:$0x2] =	wrdreg s24  }
0xaf: {  	[dreg:$0x3] =	wrdreg s2  }
0xb0: {  	[dreg:$0x4] =	wrdreg $0x90000  }
0xb1: {  	[dreg:$0x5] =	wrdreg $0x9  }
0xb2: {  	_ =	task.clear_ibuf [dreg:s7], $0x6FFFF;
	_ =	strace $0x90000049  }
0xb3: {  	s29 =	simm.s32 $0x9;
	_ =	strace $0x8000004B  }
0xb4: {  	_ =	swait.ge [sflag:s29], $0x1  }
0xb5: {  	[sflag:s29] =	ssyncadd.s32 $0xFFFFFFFF  }
0xb6: {  	_ =	strace $0x9000004B  }
0xb7: {  	_ =	sfence  }
0xb8: {  	s30 =	sld [smem:$0x0];
	_ =	sdelay $0x2  }
0xb9: {  	s31 =	sshll.u32 s1, $0xD;
	s1 =	sshrl.u32 s1, $0x2  }
0xba: {  	s3 =	sand.u32 $0x4000, s31;
	s1 =	sadd.s32 s1, s30  }
0xbb: {  	s0 =	sor.u32 s3, s0;
	s1 =	sshll.u32 s1, $0x11  }
0xbc: {  	s0 =	sor.u32 s1, s0  }
0xbd: {  	s0 =	sadd.s32 $0x8F2B, s0  }
0xbe: {  	[sflag:s0] =	ssyncadd.remote.s32 $0x1  }
0xbf: {  	_ =	sfence.sel $0xFFFF  }
0xc0: {  	[dreg:$0x0] =	wrdreg $0xFFFFFFFF;
	(pc) =	sbr.abs _section_cstart, $3  }
0xc1: {  	[dreg:$0x1] =	wrdreg $0xFFFFFFFF  }
0xc2: {  	_ =	task.clear_ibuf [dreg:s7], $0x2FFFF;
	_ =	strace $0x9FFFFFFF  }
0xc3: {  	(tm) =	ssettm $0x7FFFFFFF  }
tec
execute0_lowered:
.L_overlay_start_1:
0x0: {  	(tag) =	ssettag $0x1  }
0x1: {  	s0 =	rddreg [dreg:$0x0]  }
0x2: {  	s1 =	rddreg [dreg:$0x1]  }
0x3: {  	s3 =	srdreg.scid;
	s2 =	rddreg [dreg:$0x2]  }
0x4: {  	s11 =	stileid.u32;
	s13 =	simm.s32 $0x900;
	s28 =	simm.s32 $0x2  }
0x5: {  	s29 =	simm.s32 $0x4;
	s30 =	simm.s32 $0xC80;
	s7 =	smul.u32 $0x2800, s11  }
0x6: {  	s5 =	sand.u32 $0x1, s3;
	s3 =	simm.s32 $0x0;
	s8 =	smul.u32 $0x50000, s11  }
0x7: {  	s6 =	smul.u32 $0x28000, s5;
	[smem:$0x7FF] =	sst s3;
	s14 =	ssub.s32 $0x2, s5  }
0x8: {  	_ =	strace $0x8000004A;
	s10 =	sshrl.u32 s14, $0x1;
	s8 =	sshrl.u32 s8, $0x2  }
0x9: {  	[dreg:$0x7] =	wrdreg s13;
	s6 =	sadd.s32 s7, s6;
	s8 =	sadd.s32 s8, s2  }
0xa: {  	s7 =	ssub.s32 s14, s10;
	s14 =	simm.s32 $0x980;
	[dreg:$0x14] =	wrdreg s8  }
0xb: {  	s31 =	simm.s32 $0x400;
	s7 =	smax.u32 s7, $0x1;
	[dreg:$0x8] =	wrdreg s14  }
0xc: {  	s4 =	sadd.s32 $0xB600, s0;
	s15 =	sadd.s32 $0x4000, s8;
	[dreg:$0x15] =	wrdreg s7  }
0xd: {  	s5 =	smul.u32 $0x140000, s5;
	s16 =	sadd.s32 $0x8000, s8;
	[dreg:$0x16] =	wrdreg s15  }
0xe: {  	s13 =	simm.s32 $0x680;
	s17 =	sadd.s32 $0xC000, s8;
	[dreg:$0x17] =	wrdreg s16  }
0xf: {  	s6 =	sshrl.u32 s6, $0x3;
	s8 =	sadd.s32 $0x10000, s8;
	[dreg:$0x18] =	wrdreg s17  }
0x10: {  	s14 =	simm.s32 $0xF80;
	[dreg:$0x19] =	wrdreg s8;
	s1 =	sadd.s32 s6, s1  }
0x11: {  	s7 =	smul.u32 $0x14000, s11;
	s11 =	simm.s32 $0x880;
	[dreg:$0x5] =	wrdreg s1  }
0x12: {  	s9 =	sadd.s32 s6, s0;
	s15 =	simm.s32 $0x100;
	[dreg:$0x6] =	wrdreg s11  }
0x13: {  	s0 =	sadd.s32 $0x33600, s0;
	s17 =	simm.s32 $0xA00;
	[dreg:$0x9] =	wrdreg s15  }
0x14: {  	s25 =	sadd.s32 $0x1600, s9;
	[dreg:$0xa] =	wrdreg s17;
	s1 =	simm.s32 $0x480  }
0x15: {  	s9 =	simm.s32 $0x580;
	s11 =	simm.s32 $0x600;
	s15 =	simm.s32 $0x700  }
0x16: {  	s17 =	simm.s32 $0x0;
	s18 =	sadd.s32 s5, s7;
	s19 =	sadd.s32 $0x4000, s7  }
0x17: {  	s12 =	sadd.s32 $0x8000, s7;
	s26 =	sadd.s32 $0xC000, s7;
	[dreg:$0x4] =	wrdreg s25  }
0x18: {  	s16 =	sadd.s32 $0x10000, s7;
	s25 =	simm.s32 $0xC00;
	s8 =	sshrl.u32 s18, $0x3  }
0x19: {  	s20 =	sadd.s32 s5, s19;
	s10 =	sadd.s32 s19, s2;
	[dreg:$0x12] =	wrdreg s25  }
0x1a: {  	s22 =	sadd.s32 s5, s12;
	s24 =	sadd.s32 s12, s2;
	[dreg:$0x1b] =	wrdreg s10  }
0x1b: {  	s12 =	sadd.s32 s5, s26;
	s7 =	sadd.s32 s16, s2;
	[dreg:$0x1d] =	wrdreg s24  }
0x1c: {  	s18 =	simm.s32 $0x180;
	s5 =	sadd.s32 s5, s16;
	[smem:$0x7FC] =	sst s7  }
0x1d: {  	s19 =	simm.s32 $0xA80;
	s25 =	simm.s32 $0x1;
	[dreg:$0xb] =	wrdreg s18  }
0x1e: {  	s16 =	simm.s32 $0x780;
	s8 =	sadd.s32 s0, s8;
	[dreg:$0xc] =	wrdreg s19  }
0x1f: {  	s21 =	sshrl.u32 s20, $0x3;
	s10 =	sadd.s32 s26, s2;
	[dreg:$0x1a] =	wrdreg s8  }
0x20: {  	s23 =	sshrl.u32 s22, $0x3;
	s20 =	simm.s32 $0x200;
	[dreg:$0x1f] =	wrdreg s10  }
0x21: {  	s6 =	sshrl.u32 s12, $0x3;
	s22 =	simm.s32 $0x280;
	[dreg:$0xd] =	wrdreg s20  }
0x22: {  	s5 =	sshrl.u32 s5, $0x3;
	s24 =	simm.s32 $0x300;
	[dreg:$0xf] =	wrdreg s22  }
0x23: {  	s26 =	simm.s32 $0x380;
	s7 =	simm.s32 $0x500;
	[dreg:$0x11] =	wrdreg s24  }
0x24: {  	s12 =	simm.s32 $0xF00;
	s8 =	sadd.s32 s0, s21;
	[dreg:$0x13] =	wrdreg s26  }
0x25: {  	s6 =	sadd.s32 s0, s6;
	s21 =	simm.s32 $0xB00;
	[dreg:$0x1c] =	wrdreg s8  }
0x26: {  	s20 =	simm.s32 $0x1000;
	s22 =	simm.s32 $0x800;
	[smem:$0x7FB] =	sst s6  }
0x27: {  	s24 =	simm.s32 $0x5000;
	s8 =	sadd.s32 s0, s23;
	[dreg:$0xe] =	wrdreg s21  }
0x28: {  	s26 =	simm.s32 $0x3;
	s0 =	sadd.s32 s0, s5;
	[dreg:$0x1e] =	wrdreg s8  }
0x29: {  	s10 =	simm.s32 $0xE80;
	s23 =	simm.s32 $0xB80;
	[smem:$0x7FD] =	sst s0  }
0x2a: {  	s21 =	simm.s32 $0x5;
	s6 =	simm.s32 $0xD80;
	[dreg:$0x10] =	wrdreg s23  }
0x2b: {  	v0 =	vimm.f32 $0.0e+00;
	s23 =	simm.s32 $0x80;
	s0 =	simm.s32 $0xD00;
	s8 =	simm.s32 $0xE00  }
.LBB2_1:
0x2c: {  	s5 =	sand.u32 $0xFE00, s3  }
0x2d: {  	[smem:$0x7FA] =	sst s17;
	s19 =	sand.u32 $0x70, s3;
	s5 =	sshrl.u32 s5, $0x2  }
0x2e: {  	s18 =	simm.s32 $0x40;
	s5 =	sor.u32 s19, s5;
	s19 =	simm.s32 $0x0  }
.LBB2_2:
0x2f: {  	p0 =	sne.s32 s18, $0xFFC0  }
0x30: {  	[tilespmem:s5+$0x1000] =	vst v0;
	s19 =	sadd.s32 $0x10, s19;
	s5 =	smov.u32 s18;
	s18 =	sadd.s32 $0x40, s18  }
.Ltmp0:
0x31: {  	(pc) =	sbr.rel @p0 .LBB2_2-.Ltmp0, $4  }
0x32: {  	_ = 	snop  }
0x33: {  	s5 =	sand.u32 $0xFE00, s5  }
0x34: {  	s17 =	sand.u32 $0x70, s19;
	s5 =	sshrl.u32 s5, $0x2  }
0x35: {  	s5 =	sor.u32 s17, s5  }
0x36: {  	[tilespmem:s5+$0x1000] =	vst v0;
	s17 =	rddreg [dreg:$0x14]  }
0x37: {  	[spmem:s17] =	stream.linear.scatter [tilespmem:s20], [sflag:$0x5], $0x4000, $0x38;
	[tilespmem:$0x1D000] =	vst v63  }
0x38: {  	_ =	swait.ge [sflag:s21], $0x4000  }
0x39: {  	[sflag:s21] =	ssyncset.done $0x0  }
0x3a: {  	s18 =	rddreg [dreg:$0x16];
	[sflag:s21] =	ssyncadd.s32 $0xFFFFC000  }
0x3b: {  	[spmem:s18] =	stream.linear.scatter [tilespmem:s20], [sflag:$0x5], $0x4000, $0x38;
	[tilespmem:$0x1D000] =	vst v63  }
0x3c: {  	_ =	swait.ge [sflag:s21], $0x4000  }
0x3d: {  	[sflag:s21] =	ssyncset.done $0x0  }
0x3e: {  	s19 =	rddreg [dreg:$0x17];
	[sflag:s21] =	ssyncadd.s32 $0xFFFFC000  }
0x3f: {  	[spmem:s19] =	stream.linear.scatter [tilespmem:s20], [sflag:$0x5], $0x4000, $0x38;
	[tilespmem:$0x1D000] =	vst v63  }
0x40: {  	_ =	swait.ge [sflag:s21], $0x4000  }
0x41: {  	[sflag:s21] =	ssyncset.done $0x0  }
0x42: {  	s17 =	rddreg [dreg:$0x18];
	[sflag:s21] =	ssyncadd.s32 $0xFFFFC000  }
0x43: {  	[spmem:s17] =	stream.linear.scatter [tilespmem:s20], [sflag:$0x5], $0x4000, $0x38;
	[tilespmem:$0x1D000] =	vst v63  }
0x44: {  	_ =	swait.ge [sflag:s21], $0x4000  }
0x45: {  	[sflag:s21] =	ssyncset.done $0x0  }
0x46: {  	s18 =	rddreg [dreg:$0x19];
	[sflag:s21] =	ssyncadd.s32 $0xFFFFC000  }
0x47: {  	[spmem:s18] =	stream.linear.scatter [tilespmem:s20], [sflag:$0x5], $0x4000, $0x38;
	[tilespmem:$0x1D000] =	vst v63  }
0x48: {  	_ =	swait.ge [sflag:s21], $0x4000  }
0x49: {  	[sflag:s21] =	ssyncset.done $0x0  }
0x4a: {  	[sflag:s21] =	ssyncadd.s32 $0xFFFFC000  }
0x4b: {  	[bflag:$0x0] =	sbarrier.arrive $0xFFFF  }
0x4c: {  	s19 =	rddreg [dreg:$0x5]  }
0x4d: {  	s5 =	sadd.s32 $0x0, s19  }
0x4e: {  	[tilespmem:s3], [sflag:$0x5] =	stream.linear.gather [hbm4b:s5+s3], $0x800, $0x38;
	[tilespmem:$0x1D000] =	vst v63  }
0x4f: {  	_ =	swait.ge [sflag:s21], $0x800  }
0x50: {  	s17 =	rddreg [dreg:$0x4];
	[sflag:s21] =	ssyncset.done $0x0  }
0x51: {  	[sflag:s21] =	ssyncadd.s32 $0xFFFFF800;
	s5 =	sadd.s32 $0x0, s17  }
0x52: {  	[tilespmem:s22], [sflag:$0x5] =	stream.linear.gather [hbm4b:s5+s3], $0x800, $0x38;
	[tilespmem:$0x1D000] =	vst v63  }
0x53: {  	_ =	swait.ge [sflag:s21], $0x800  }
0x54: {  	[sflag:s21] =	ssyncset.done $0x0  }
0x55: {  	[sflag:s21] =	ssyncadd.s32 $0xFFFFF800  }
0x56: {  	[tilespmem:s20], [sflag:$0x1] =	stream.indirect.gather [hbm4b:s4+s23], $0x80, s22, s23, $0xb8;
	[tilespmem:$0x1D000] =	vst v63  }
0x57: {  	s18 =	rddreg [dreg:$0x6]  }
0x58: {  	[tilespmem:s24], [sflag:$0x2] =	stream.indirect.gather [hbm4b:s4+s23], $0x80, s18, s23, $0xb8;
	[tilespmem:$0x1D000] =	vst v63  }
0x59: {  	_ =	swait.ge [sflag:s25], $0x4000  }
0x5a: {  	[sflag:s25] =	ssyncset.done $0x0  }
0x5b: {  	[sflag:s25] =	ssyncadd.s32 $0xFFFFC000  }
0x5c: {  	[spmem:s2] =	stream.indirect.scatter.add.f32 [tilespmem:s20], [sflag:$0x3], $0x80, s3, s23, $0xb8;
	[tilespmem:$0x1D000] =	vst v63  }
0x5d: {  	_ =	swait.ge [sflag:s26], $0x4000  }
0x5e: {  	[sflag:s26] =	ssyncset.done $0x0  }
0x5f: {  	s19 =	rddreg [dreg:$0x7];
	[sflag:s26] =	ssyncadd.s32 $0xFFFFC000  }
0x60: {  	[tilespmem:s20], [sflag:$0x1] =	stream.indirect.gather [hbm4b:s4+s23], $0x80, s19, s23, $0xb8;
	[tilespmem:$0x1D000] =	vst v63  }
0x61: {  	_ =	swait.ge [sflag:s28], $0x4000  }
0x62: {  	[sflag:s28] =	ssyncset.done $0x0  }
0x63: {  	[sflag:s28] =	ssyncadd.s32 $0xFFFFC000  }
0x64: {  	[spmem:s2] =	stream.indirect.scatter.add.f32 [tilespmem:s24], [sflag:$0x4], $0x80, s23, s23, $0xb8;
	[tilespmem:$0x1D000] =	vst v63  }
0x65: {  	_ =	swait.ge [sflag:s29], $0x4000  }
0x66: {  	[sflag:s29] =	ssyncset.done $0x0  }
0x67: {  	s17 =	rddreg [dreg:$0x8];
	[sflag:s29] =	ssyncadd.s32 $0xFFFFC000  }
0x68: {  	[tilespmem:s24], [sflag:$0x2] =	stream.indirect.gather [hbm4b:s4+s23], $0x80, s17, s23, $0xb8;
	[tilespmem:$0x1D000] =	vst v63  }
0x69: {  	_ =	swait.ge [sflag:s25], $0x4000  }
0x6a: {  	[sflag:s25] =	ssyncset.done $0x0  }
0x6b: {  	s18 =	rddreg [dreg:$0x9];
	[sflag:s25] =	ssyncadd.s32 $0xFFFFC000  }
0x6c: {  	[spmem:s2] =	stream.indirect.scatter.add.f32 [tilespmem:s20], [sflag:$0x3], $0x80, s18, s23, $0xb8;
	[tilespmem:$0x1D000] =	vst v63  }
0x6d: {  	_ =	swait.ge [sflag:s26], $0x4000  }
0x6e: {  	[sflag:s26] =	ssyncset.done $0x0  }
0x6f: {  	s19 =	rddreg [dreg:$0xa];
	[sflag:s26] =	ssyncadd.s32 $0xFFFFC000  }
0x70: {  	[tilespmem:s20], [sflag:$0x1] =	stream.indirect.gather [hbm4b:s4+s23], $0x80, s19, s23, $0xb8;
	[tilespmem:$0x1D000] =	vst v63  }
0x71: {  	_ =	swait.ge [sflag:s28], $0x4000  }
0x72: {  	[sflag:s28] =	ssyncset.done $0x0  }
0x73: {  	s17 =	rddreg [dreg:$0xb];
	[sflag:s28] =	ssyncadd.s32 $0xFFFFC000  }
0x74: {  	[spmem:s2] =	stream.indirect.scatter.add.f32 [tilespmem:s24], [sflag:$0x4], $0x80, s17, s23, $0xb8;
	[tilespmem:$0x1D000] =	vst v63  }
0x75: {  	_ =	swait.ge [sflag:s29], $0x4000  }
0x76: {  	[sflag:s29] =	ssyncset.done $0x0  }
0x77: {  	s18 =	rddreg [dreg:$0xc];
	[sflag:s29] =	ssyncadd.s32 $0xFFFFC000  }
0x78: {  	[tilespmem:s24], [sflag:$0x2] =	stream.indirect.gather [hbm4b:s4+s23], $0x80, s18, s23, $0xb8;
	[tilespmem:$0x1D000] =	vst v63  }
0x79: {  	_ =	swait.ge [sflag:s25], $0x4000  }
0x7a: {  	[sflag:s25] =	ssyncset.done $0x0  }
0x7b: {  	s19 =	rddreg [dreg:$0xd];
	[sflag:s25] =	ssyncadd.s32 $0xFFFFC000  }
0x7c: {  	[spmem:s2] =	stream.indirect.scatter.add.f32 [tilespmem:s20], [sflag:$0x3], $0x80, s19, s23, $0xb8;
	[tilespmem:$0x1D000] =	vst v63  }
0x7d: {  	_ =	swait.ge [sflag:s26], $0x4000  }
0x7e: {  	[sflag:s26] =	ssyncset.done $0x0  }
0x7f: {  	s17 =	rddreg [dreg:$0xe];
	[sflag:s26] =	ssyncadd.s32 $0xFFFFC000  }
0x80: {  	[tilespmem:s20], [sflag:$0x1] =	stream.indirect.gather [hbm4b:s4+s23], $0x80, s17, s23, $0xb8;
	[tilespmem:$0x1D000] =	vst v63  }
0x81: {  	_ =	swait.ge [sflag:s28], $0x4000  }
0x82: {  	[sflag:s28] =	ssyncset.done $0x0  }
0x83: {  	s18 =	rddreg [dreg:$0xf];
	[sflag:s28] =	ssyncadd.s32 $0xFFFFC000  }
0x84: {  	[spmem:s2] =	stream.indirect.scatter.add.f32 [tilespmem:s24], [sflag:$0x4], $0x80, s18, s23, $0xb8;
	[tilespmem:$0x1D000] =	vst v63  }
0x85: {  	_ =	swait.ge [sflag:s29], $0x4000  }
0x86: {  	[sflag:s29] =	ssyncset.done $0x0  }
0x87: {  	s19 =	rddreg [dreg:$0x10];
	[sflag:s29] =	ssyncadd.s32 $0xFFFFC000  }
0x88: {  	[tilespmem:s24], [sflag:$0x2] =	stream.indirect.gather [hbm4b:s4+s23], $0x80, s19, s23, $0xb8;
	[tilespmem:$0x1D000] =	vst v63  }
0x89: {  	_ =	swait.ge [sflag:s25], $0x4000  }
0x8a: {  	[sflag:s25] =	ssyncset.done $0x0  }
0x8b: {  	s17 =	rddreg [dreg:$0x11];
	[sflag:s25] =	ssyncadd.s32 $0xFFFFC000  }
0x8c: {  	[spmem:s2] =	stream.indirect.scatter.add.f32 [tilespmem:s20], [sflag:$0x3], $0x80, s17, s23, $0xb8;
	[tilespmem:$0x1D000] =	vst v63  }
0x8d: {  	_ =	swait.ge [sflag:s26], $0x4000  }
0x8e: {  	[sflag:s26] =	ssyncset.done $0x0  }
0x8f: {  	s18 =	rddreg [dreg:$0x12];
	[sflag:s26] =	ssyncadd.s32 $0xFFFFC000  }
0x90: {  	[tilespmem:s20], [sflag:$0x1] =	stream.indirect.gather [hbm4b:s4+s23], $0x80, s18, s23, $0xb8;
	[tilespmem:$0x1D000] =	vst v63  }
0x91: {  	_ =	swait.ge [sflag:s28], $0x4000  }
0x92: {  	[sflag:s28] =	ssyncset.done $0x0  }
0x93: {  	s19 =	rddreg [dreg:$0x13];
	[sflag:s28] =	ssyncadd.s32 $0xFFFFC000  }
0x94: {  	[spmem:s2] =	stream.indirect.scatter.add.f32 [tilespmem:s24], [sflag:$0x4], $0x80, s19, s23, $0xb8;
	[tilespmem:$0x1D000] =	vst v63  }
0x95: {  	_ =	swait.ge [sflag:s29], $0x4000  }
0x96: {  	[sflag:s29] =	ssyncset.done $0x0  }
0x97: {  	[sflag:s29] =	ssyncadd.s32 $0xFFFFC000  }
0x98: {  	[tilespmem:s24], [sflag:$0x2] =	stream.indirect.gather [hbm4b:s4+s23], $0x80, s30, s23, $0xb8;
	[tilespmem:$0x1D000] =	vst v63  }
0x99: {  	_ =	swait.ge [sflag:s25], $0x4000  }
0x9a: {  	[sflag:s25] =	ssyncset.done $0x0  }
0x9b: {  	[sflag:s25] =	ssyncadd.s32 $0xFFFFC000  }
0x9c: {  	[spmem:s2] =	stream.indirect.scatter.add.f32 [tilespmem:s20], [sflag:$0x3], $0x80, s31, s23, $0xb8;
	[tilespmem:$0x1D000] =	vst v63  }
0x9d: {  	_ =	swait.ge [sflag:s26], $0x4000  }
0x9e: {  	[sflag:s26] =	ssyncset.done $0x0  }
0x9f: {  	[sflag:s26] =	ssyncadd.s32 $0xFFFFC000  }
0xa0: {  	[tilespmem:s20], [sflag:$0x1] =	stream.indirect.gather [hbm4b:s4+s23], $0x80, s0, s23, $0xb8;
	[tilespmem:$0x1D000] =	vst v63  }
0xa1: {  	_ =	swait.ge [sflag:s28], $0x4000  }
0xa2: {  	[sflag:s28] =	ssyncset.done $0x0  }
0xa3: {  	[sflag:s28] =	ssyncadd.s32 $0xFFFFC000  }
0xa4: {  	[spmem:s2] =	stream.indirect.scatter.add.f32 [tilespmem:s24], [sflag:$0x4], $0x80, s1, s23, $0xb8;
	[tilespmem:$0x1D000] =	vst v63  }
0xa5: {  	_ =	swait.ge [sflag:s29], $0x4000  }
0xa6: {  	[sflag:s29] =	ssyncset.done $0x0  }
0xa7: {  	[sflag:s29] =	ssyncadd.s32 $0xFFFFC000  }
0xa8: {  	[tilespmem:s24], [sflag:$0x2] =	stream.indirect.gather [hbm4b:s4+s23], $0x80, s6, s23, $0xb8;
	[tilespmem:$0x1D000] =	vst v63  }
0xa9: {  	_ =	swait.ge [sflag:s25], $0x4000  }
0xaa: {  	[sflag:s25] =	ssyncset.done $0x0  }
0xab: {  	[sflag:s25] =	ssyncadd.s32 $0xFFFFC000  }
0xac: {  	[spmem:s2] =	stream.indirect.scatter.add.f32 [tilespmem:s20], [sflag:$0x3], $0x80, s7, s23, $0xb8;
	[tilespmem:$0x1D000] =	vst v63  }
0xad: {  	_ =	swait.ge [sflag:s26], $0x4000  }
0xae: {  	[sflag:s26] =	ssyncset.done $0x0  }
0xaf: {  	[sflag:s26] =	ssyncadd.s32 $0xFFFFC000  }
0xb0: {  	[tilespmem:s20], [sflag:$0x1] =	stream.indirect.gather [hbm4b:s4+s23], $0x80, s8, s23, $0xb8;
	[tilespmem:$0x1D000] =	vst v63  }
0xb1: {  	_ =	swait.ge [sflag:s28], $0x4000  }
0xb2: {  	[sflag:s28] =	ssyncset.done $0x0  }
0xb3: {  	[sflag:s28] =	ssyncadd.s32 $0xFFFFC000  }
0xb4: {  	[spmem:s2] =	stream.indirect.scatter.add.f32 [tilespmem:s24], [sflag:$0x4], $0x80, s9, s23, $0xb8;
	[tilespmem:$0x1D000] =	vst v63  }
0xb5: {  	_ =	swait.ge [sflag:s29], $0x4000  }
0xb6: {  	[sflag:s29] =	ssyncset.done $0x0  }
0xb7: {  	[sflag:s29] =	ssyncadd.s32 $0xFFFFC000  }
0xb8: {  	[tilespmem:s24], [sflag:$0x2] =	stream.indirect.gather [hbm4b:s4+s23], $0x80, s10, s23, $0xb8;
	[tilespmem:$0x1D000] =	vst v63  }
0xb9: {  	_ =	swait.ge [sflag:s25], $0x4000  }
0xba: {  	[sflag:s25] =	ssyncset.done $0x0  }
0xbb: {  	[sflag:s25] =	ssyncadd.s32 $0xFFFFC000  }
0xbc: {  	[spmem:s2] =	stream.indirect.scatter.add.f32 [tilespmem:s20], [sflag:$0x3], $0x80, s11, s23, $0xb8;
	[tilespmem:$0x1D000] =	vst v63  }
0xbd: {  	_ =	swait.ge [sflag:s26], $0x4000  }
0xbe: {  	[sflag:s26] =	ssyncset.done $0x0  }
0xbf: {  	[sflag:s26] =	ssyncadd.s32 $0xFFFFC000  }
0xc0: {  	[tilespmem:s20], [sflag:$0x1] =	stream.indirect.gather [hbm4b:s4+s23], $0x80, s12, s23, $0xb8;
	[tilespmem:$0x1D000] =	vst v63  }
0xc1: {  	_ =	swait.ge [sflag:s28], $0x4000  }
0xc2: {  	[sflag:s28] =	ssyncset.done $0x0  }
0xc3: {  	[sflag:s28] =	ssyncadd.s32 $0xFFFFC000  }
0xc4: {  	[spmem:s2] =	stream.indirect.scatter.add.f32 [tilespmem:s24], [sflag:$0x4], $0x80, s13, s23, $0xb8;
	[tilespmem:$0x1D000] =	vst v63  }
0xc5: {  	_ =	swait.ge [sflag:s29], $0x4000  }
0xc6: {  	[sflag:s29] =	ssyncset.done $0x0  }
0xc7: {  	[sflag:s29] =	ssyncadd.s32 $0xFFFFC000  }
0xc8: {  	[tilespmem:s24], [sflag:$0x2] =	stream.indirect.gather [hbm4b:s4+s23], $0x80, s14, s23, $0xb8;
	[tilespmem:$0x1D000] =	vst v63  }
0xc9: {  	_ =	swait.ge [sflag:s25], $0x4000  }
0xca: {  	[sflag:s25] =	ssyncset.done $0x0  }
0xcb: {  	[sflag:s25] =	ssyncadd.s32 $0xFFFFC000  }
0xcc: {  	[spmem:s2] =	stream.indirect.scatter.add.f32 [tilespmem:s20], [sflag:$0x3], $0x80, s15, s23, $0xb8;
	[tilespmem:$0x1D000] =	vst v63  }
0xcd: {  	_ =	swait.ge [sflag:s28], $0x4000  }
0xce: {  	[sflag:s28] =	ssyncset.done $0x0  }
0xcf: {  	[sflag:s28] =	ssyncadd.s32 $0xFFFFC000  }
0xd0: {  	[spmem:s2] =	stream.indirect.scatter.add.f32 [tilespmem:s24], [sflag:$0x4], $0x80, s16, s23, $0xb8;
	[tilespmem:$0x1D000] =	vst v63  }
0xd1: {  	_ =	swait.ge [sflag:s26], $0x4000  }
0xd2: {  	[sflag:s26] =	ssyncset.done $0x0  }
0xd3: {  	[sflag:s26] =	ssyncadd.s32 $0xFFFFC000  }
0xd4: {  	s18 =	simm.s32 $0x100;
	_ =	swait.ge [sflag:s29], $0x4000  }
0xd5: {  	s19 =	simm.s32 $0x200;
	s5 =	rddreg [dreg:$0x5];
	[sflag:s29] =	ssyncset.done $0x0  }
.LBB2_4:
0xd6: {  	[sflag:s29] =	ssyncadd.s32 $0xFFFFC000;
	s5 =	sadd.s32 s18, s5  }
0xd7: {  	[tilespmem:s3], [sflag:$0x5] =	stream.linear.gather [hbm4b:s5+s3], $0x800, $0x38;
	[tilespmem:$0x1D000] =	vst v63  }
0xd8: {  	_ =	swait.ge [sflag:s21], $0x800  }
0xd9: {  	s5 =	rddreg [dreg:$0x4];
	[sflag:s21] =	ssyncset.done $0x0  }
0xda: {  	[sflag:s21] =	ssyncadd.s32 $0xFFFFF800;
	s5 =	sadd.s32 s18, s5  }
0xdb: {  	[tilespmem:s22], [sflag:$0x5] =	stream.linear.gather [hbm4b:s5+s3], $0x800, $0x38;
	[tilespmem:$0x1D000] =	vst v63  }
0xdc: {  	_ =	swait.ge [sflag:s21], $0x800  }
0xdd: {  	[sflag:s21] =	ssyncset.done $0x0  }
0xde: {  	s17 =	smov.u32 s19;
	[sflag:s21] =	ssyncadd.s32 $0xFFFFF800  }
0xdf: {  	[tilespmem:s20], [sflag:$0x1] =	stream.indirect.gather [hbm4b:s4+s23], $0x80, s22, s23, $0xb8;
	[tilespmem:$0x1D000] =	vst v63  }
0xe0: {  	s18 =	smov.u32 s17;
	s17 =	rddreg [dreg:$0x6]  }
0xe1: {  	[tilespmem:s24], [sflag:$0x2] =	stream.indirect.gather [hbm4b:s4+s23], $0x80, s17, s23, $0xb8;
	[tilespmem:$0x1D000] =	vst v63  }
0xe2: {  	_ =	swait.ge [sflag:s25], $0x4000  }
0xe3: {  	[sflag:s25] =	ssyncset.done $0x0  }
0xe4: {  	[sflag:s25] =	ssyncadd.s32 $0xFFFFC000  }
0xe5: {  	[spmem:s2] =	stream.indirect.scatter.add.f32 [tilespmem:s20], [sflag:$0x3], $0x80, s3, s23, $0xb8;
	[tilespmem:$0x1D000] =	vst v63  }
0xe6: {  	_ =	swait.ge [sflag:s26], $0x4000  }
0xe7: {  	[sflag:s26] =	ssyncset.done $0x0  }
0xe8: {  	s17 =	rddreg [dreg:$0x7];
	[sflag:s26] =	ssyncadd.s32 $0xFFFFC000  }
0xe9: {  	[tilespmem:s20], [sflag:$0x1] =	stream.indirect.gather [hbm4b:s4+s23], $0x80, s17, s23, $0xb8;
	[tilespmem:$0x1D000] =	vst v63  }
0xea: {  	_ =	swait.ge [sflag:s28], $0x4000  }
0xeb: {  	[sflag:s28] =	ssyncset.done $0x0  }
0xec: {  	[sflag:s28] =	ssyncadd.s32 $0xFFFFC000  }
0xed: {  	[spmem:s2] =	stream.indirect.scatter.add.f32 [tilespmem:s24], [sflag:$0x4], $0x80, s23, s23, $0xb8;
	[tilespmem:$0x1D000] =	vst v63  }
0xee: {  	_ =	swait.ge [sflag:s29], $0x4000  }
0xef: {  	[sflag:s29] =	ssyncset.done $0x0  }
0xf0: {  	s17 =	rddreg [dreg:$0x8];
	[sflag:s29] =	ssyncadd.s32 $0xFFFFC000  }
0xf1: {  	[tilespmem:s24], [sflag:$0x2] =	stream.indirect.gather [hbm4b:s4+s23], $0x80, s17, s23, $0xb8;
	[tilespmem:$0x1D000] =	vst v63  }
0xf2: {  	_ =	swait.ge [sflag:s25], $0x4000  }
0xf3: {  	[sflag:s25] =	ssyncset.done $0x0  }
0xf4: {  	s17 =	rddreg [dreg:$0x9];
	[sflag:s25] =	ssyncadd.s32 $0xFFFFC000  }
0xf5: {  	[spmem:s2] =	stream.indirect.scatter.add.f32 [tilespmem:s20], [sflag:$0x3], $0x80, s17, s23, $0xb8;
	[tilespmem:$0x1D000] =	vst v63  }
0xf6: {  	_ =	swait.ge [sflag:s26], $0x4000  }
0xf7: {  	[sflag:s26] =	ssyncset.done $0x0  }
0xf8: {  	s17 =	rddreg [dreg:$0xa];
	[sflag:s26] =	ssyncadd.s32 $0xFFFFC000  }
0xf9: {  	[tilespmem:s20], [sflag:$0x1] =	stream.indirect.gather [hbm4b:s4+s23], $0x80, s17, s23, $0xb8;
	[tilespmem:$0x1D000] =	vst v63  }
0xfa: {  	_ =	swait.ge [sflag:s28], $0x4000  }
0xfb: {  	[sflag:s28] =	ssyncset.done $0x0  }
0xfc: {  	s17 =	rddreg [dreg:$0xb];
	[sflag:s28] =	ssyncadd.s32 $0xFFFFC000  }
0xfd: {  	[spmem:s2] =	stream.indirect.scatter.add.f32 [tilespmem:s24], [sflag:$0x4], $0x80, s17, s23, $0xb8;
	[tilespmem:$0x1D000] =	vst v63  }
0xfe: {  	_ =	swait.ge [sflag:s29], $0x4000  }
0xff: {  	[sflag:s29] =	ssyncset.done $0x0  }
0x100: {  	s17 =	rddreg [dreg:$0xc];
	[sflag:s29] =	ssyncadd.s32 $0xFFFFC000  }
0x101: {  	[tilespmem:s24], [sflag:$0x2] =	stream.indirect.gather [hbm4b:s4+s23], $0x80, s17, s23, $0xb8;
	[tilespmem:$0x1D000] =	vst v63  }
0x102: {  	_ =	swait.ge [sflag:s25], $0x4000  }
0x103: {  	[sflag:s25] =	ssyncset.done $0x0  }
0x104: {  	s17 =	rddreg [dreg:$0xd];
	[sflag:s25] =	ssyncadd.s32 $0xFFFFC000  }
0x105: {  	[spmem:s2] =	stream.indirect.scatter.add.f32 [tilespmem:s20], [sflag:$0x3], $0x80, s17, s23, $0xb8;
	[tilespmem:$0x1D000] =	vst v63  }
0x106: {  	_ =	swait.ge [sflag:s26], $0x4000  }
0x107: {  	[sflag:s26] =	ssyncset.done $0x0  }
0x108: {  	s17 =	rddreg [dreg:$0xe];
	[sflag:s26] =	ssyncadd.s32 $0xFFFFC000  }
0x109: {  	[tilespmem:s20], [sflag:$0x1] =	stream.indirect.gather [hbm4b:s4+s23], $0x80, s17, s23, $0xb8;
	[tilespmem:$0x1D000] =	vst v63  }
0x10a: {  	_ =	swait.ge [sflag:s28], $0x4000  }
0x10b: {  	[sflag:s28] =	ssyncset.done $0x0  }
0x10c: {  	s17 =	rddreg [dreg:$0xf];
	[sflag:s28] =	ssyncadd.s32 $0xFFFFC000  }
0x10d: {  	[spmem:s2] =	stream.indirect.scatter.add.f32 [tilespmem:s24], [sflag:$0x4], $0x80, s17, s23, $0xb8;
	[tilespmem:$0x1D000] =	vst v63  }
0x10e: {  	_ =	swait.ge [sflag:s29], $0x4000  }
0x10f: {  	[sflag:s29] =	ssyncset.done $0x0  }
0x110: {  	s17 =	rddreg [dreg:$0x10];
	[sflag:s29] =	ssyncadd.s32 $0xFFFFC000  }
0x111: {  	[tilespmem:s24], [sflag:$0x2] =	stream.indirect.gather [hbm4b:s4+s23], $0x80, s17, s23, $0xb8;
	[tilespmem:$0x1D000] =	vst v63  }
0x112: {  	_ =	swait.ge [sflag:s25], $0x4000  }
0x113: {  	[sflag:s25] =	ssyncset.done $0x0  }
0x114: {  	s17 =	rddreg [dreg:$0x11];
	[sflag:s25] =	ssyncadd.s32 $0xFFFFC000  }
0x115: {  	[spmem:s2] =	stream.indirect.scatter.add.f32 [tilespmem:s20], [sflag:$0x3], $0x80, s17, s23, $0xb8;
	[tilespmem:$0x1D000] =	vst v63  }
0x116: {  	_ =	swait.ge [sflag:s26], $0x4000  }
0x117: {  	[sflag:s26] =	ssyncset.done $0x0  }
0x118: {  	s17 =	rddreg [dreg:$0x12];
	[sflag:s26] =	ssyncadd.s32 $0xFFFFC000  }
0x119: {  	[tilespmem:s20], [sflag:$0x1] =	stream.indirect.gather [hbm4b:s4+s23], $0x80, s17, s23, $0xb8;
	[tilespmem:$0x1D000] =	vst v63  }
0x11a: {  	_ =	swait.ge [sflag:s28], $0x4000  }
0x11b: {  	[sflag:s28] =	ssyncset.done $0x0  }
0x11c: {  	s17 =	rddreg [dreg:$0x13];
	[sflag:s28] =	ssyncadd.s32 $0xFFFFC000  }
0x11d: {  	[spmem:s2] =	stream.indirect.scatter.add.f32 [tilespmem:s24], [sflag:$0x4], $0x80, s17, s23, $0xb8;
	[tilespmem:$0x1D000] =	vst v63  }
0x11e: {  	_ =	swait.ge [sflag:s29], $0x4000  }
0x11f: {  	[sflag:s29] =	ssyncset.done $0x0  }
0x120: {  	[sflag:s29] =	ssyncadd.s32 $0xFFFFC000  }
0x121: {  	[tilespmem:s24], [sflag:$0x2] =	stream.indirect.gather [hbm4b:s4+s23], $0x80, s30, s23, $0xb8;
	[tilespmem:$0x1D000] =	vst v63  }
0x122: {  	_ =	swait.ge [sflag:s25], $0x4000  }
0x123: {  	[sflag:s25] =	ssyncset.done $0x0  }
0x124: {  	[sflag:s25] =	ssyncadd.s32 $0xFFFFC000  }
0x125: {  	[spmem:s2] =	stream.indirect.scatter.add.f32 [tilespmem:s20], [sflag:$0x3], $0x80, s31, s23, $0xb8;
	[tilespmem:$0x1D000] =	vst v63  }
0x126: {  	_ =	swait.ge [sflag:s26], $0x4000  }
0x127: {  	[sflag:s26] =	ssyncset.done $0x0  }
0x128: {  	[sflag:s26] =	ssyncadd.s32 $0xFFFFC000  }
0x129: {  	[tilespmem:s20], [sflag:$0x1] =	stream.indirect.gather [hbm4b:s4+s23], $0x80, s0, s23, $0xb8;
	[tilespmem:$0x1D000] =	vst v63  }
0x12a: {  	_ =	swait.ge [sflag:s28], $0x4000  }
0x12b: {  	[sflag:s28] =	ssyncset.done $0x0  }
0x12c: {  	[sflag:s28] =	ssyncadd.s32 $0xFFFFC000  }
0x12d: {  	[spmem:s2] =	stream.indirect.scatter.add.f32 [tilespmem:s24], [sflag:$0x4], $0x80, s1, s23, $0xb8;
	[tilespmem:$0x1D000] =	vst v63  }
0x12e: {  	_ =	swait.ge [sflag:s29], $0x4000  }
0x12f: {  	[sflag:s29] =	ssyncset.done $0x0  }
0x130: {  	[sflag:s29] =	ssyncadd.s32 $0xFFFFC000  }
0x131: {  	[tilespmem:s24], [sflag:$0x2] =	stream.indirect.gather [hbm4b:s4+s23], $0x80, s6, s23, $0xb8;
	[tilespmem:$0x1D000] =	vst v63  }
0x132: {  	_ =	swait.ge [sflag:s25], $0x4000  }
0x133: {  	[sflag:s25] =	ssyncset.done $0x0  }
0x134: {  	[sflag:s25] =	ssyncadd.s32 $0xFFFFC000  }
0x135: {  	[spmem:s2] =	stream.indirect.scatter.add.f32 [tilespmem:s20], [sflag:$0x3], $0x80, s7, s23, $0xb8;
	[tilespmem:$0x1D000] =	vst v63  }
0x136: {  	_ =	swait.ge [sflag:s26], $0x4000  }
0x137: {  	[sflag:s26] =	ssyncset.done $0x0  }
0x138: {  	[sflag:s26] =	ssyncadd.s32 $0xFFFFC000  }
0x139: {  	[tilespmem:s20], [sflag:$0x1] =	stream.indirect.gather [hbm4b:s4+s23], $0x80, s8, s23, $0xb8;
	[tilespmem:$0x1D000] =	vst v63  }
0x13a: {  	_ =	swait.ge [sflag:s28], $0x4000  }
0x13b: {  	[sflag:s28] =	ssyncset.done $0x0  }
0x13c: {  	[sflag:s28] =	ssyncadd.s32 $0xFFFFC000  }
0x13d: {  	[spmem:s2] =	stream.indirect.scatter.add.f32 [tilespmem:s24], [sflag:$0x4], $0x80, s9, s23, $0xb8;
	[tilespmem:$0x1D000] =	vst v63  }
0x13e: {  	_ =	swait.ge [sflag:s29], $0x4000  }
0x13f: {  	[sflag:s29] =	ssyncset.done $0x0  }
0x140: {  	[sflag:s29] =	ssyncadd.s32 $0xFFFFC000  }
0x141: {  	[tilespmem:s24], [sflag:$0x2] =	stream.indirect.gather [hbm4b:s4+s23], $0x80, s10, s23, $0xb8;
	[tilespmem:$0x1D000] =	vst v63  }
0x142: {  	_ =	swait.ge [sflag:s25], $0x4000  }
0x143: {  	[sflag:s25] =	ssyncset.done $0x0  }
0x144: {  	[sflag:s25] =	ssyncadd.s32 $0xFFFFC000  }
0x145: {  	[spmem:s2] =	stream.indirect.scatter.add.f32 [tilespmem:s20], [sflag:$0x3], $0x80, s11, s23, $0xb8;
	[tilespmem:$0x1D000] =	vst v63  }
0x146: {  	_ =	swait.ge [sflag:s26], $0x4000  }
0x147: {  	[sflag:s26] =	ssyncset.done $0x0  }
0x148: {  	[sflag:s26] =	ssyncadd.s32 $0xFFFFC000  }
0x149: {  	[tilespmem:s20], [sflag:$0x1] =	stream.indirect.gather [hbm4b:s4+s23], $0x80, s12, s23, $0xb8;
	[tilespmem:$0x1D000] =	vst v63  }
0x14a: {  	_ =	swait.ge [sflag:s28], $0x4000  }
0x14b: {  	[sflag:s28] =	ssyncset.done $0x0  }
0x14c: {  	[sflag:s28] =	ssyncadd.s32 $0xFFFFC000  }
0x14d: {  	[spmem:s2] =	stream.indirect.scatter.add.f32 [tilespmem:s24], [sflag:$0x4], $0x80, s13, s23, $0xb8;
	[tilespmem:$0x1D000] =	vst v63  }
0x14e: {  	_ =	swait.ge [sflag:s29], $0x4000  }
0x14f: {  	[sflag:s29] =	ssyncset.done $0x0  }
0x150: {  	[sflag:s29] =	ssyncadd.s32 $0xFFFFC000  }
0x151: {  	[tilespmem:s24], [sflag:$0x2] =	stream.indirect.gather [hbm4b:s4+s23], $0x80, s14, s23, $0xb8;
	[tilespmem:$0x1D000] =	vst v63  }
0x152: {  	_ =	swait.ge [sflag:s25], $0x4000  }
0x153: {  	[sflag:s25] =	ssyncset.done $0x0  }
0x154: {  	[sflag:s25] =	ssyncadd.s32 $0xFFFFC000  }
0x155: {  	[spmem:s2] =	stream.indirect.scatter.add.f32 [tilespmem:s20], [sflag:$0x3], $0x80, s15, s23, $0xb8;
	[tilespmem:$0x1D000] =	vst v63  }
0x156: {  	_ =	swait.ge [sflag:s28], $0x4000  }
0x157: {  	[sflag:s28] =	ssyncset.done $0x0  }
0x158: {  	p0 =	sne.s32 s19, $0x400;
	[sflag:s28] =	ssyncadd.s32 $0xFFFFC000  }
0x159: {  	[spmem:s2] =	stream.indirect.scatter.add.f32 [tilespmem:s24], [sflag:$0x4], $0x80, s16, s23, $0xb8;
	[tilespmem:$0x1D000] =	vst v63  }
.Ltmp1:
0x15a: {  	_ =	swait.ge [sflag:s26], $0x4000;
	(pc) =	sbr.rel @p0 .LBB2_4-.Ltmp1, $4  }
0x15b: {  	[sflag:s26] =	ssyncset.done $0x0  }
0x15c: {  	[sflag:s26] =	ssyncadd.s32 $0xFFFFC000  }
0x15d: {  	_ =	swait.ge [sflag:s29], $0x4000  }
0x15e: {  	s19 =	sadd.s32 $0x100, s19;
	s5 =	rddreg [dreg:$0x5];
	[sflag:s29] =	ssyncset.done $0x0  }
0x15f: {  	[sflag:s29] =	ssyncadd.s32 $0xFFFFC000;
	s5 =	sadd.s32 s18, s5  }
0x160: {  	[tilespmem:s3], [sflag:$0x5] =	stream.linear.gather [hbm4b:s5+s3], $0x800, $0x38;
	[tilespmem:$0x1D000] =	vst v63  }
0x161: {  	_ =	swait.ge [sflag:s21], $0x800  }
0x162: {  	s17 =	rddreg [dreg:$0x4];
	[sflag:s21] =	ssyncset.done $0x0  }
0x163: {  	s5 =	sadd.s32 s18, s17;
	[sflag:s21] =	ssyncadd.s32 $0xFFFFF800  }
0x164: {  	[tilespmem:s22], [sflag:$0x5] =	stream.linear.gather [hbm4b:s5+s3], $0x800, $0x38;
	[tilespmem:$0x1D000] =	vst v63  }
0x165: {  	_ =	swait.ge [sflag:s21], $0x800  }
0x166: {  	[sflag:s21] =	ssyncset.done $0x0  }
0x167: {  	[sflag:s21] =	ssyncadd.s32 $0xFFFFF800  }
0x168: {  	[tilespmem:s20], [sflag:$0x1] =	stream.indirect.gather [hbm4b:s4+s23], $0x80, s22, s23, $0xb8;
	[tilespmem:$0x1D000] =	vst v63  }
0x169: {  	s19 =	rddreg [dreg:$0x6]  }
0x16a: {  	[tilespmem:s24], [sflag:$0x2] =	stream.indirect.gather [hbm4b:s4+s23], $0x80, s19, s23, $0xb8;
	[tilespmem:$0x1D000] =	vst v63  }
0x16b: {  	_ =	swait.ge [sflag:s25], $0x4000  }
0x16c: {  	[sflag:s25] =	ssyncset.done $0x0  }
0x16d: {  	[sflag:s25] =	ssyncadd.s32 $0xFFFFC000  }
0x16e: {  	[spmem:s2] =	stream.indirect.scatter.add.f32 [tilespmem:s20], [sflag:$0x3], $0x80, s3, s23, $0xb8;
	[tilespmem:$0x1D000] =	vst v63  }
0x16f: {  	_ =	swait.ge [sflag:s26], $0x4000  }
0x170: {  	[sflag:s26] =	ssyncset.done $0x0  }
0x171: {  	s17 =	rddreg [dreg:$0x7];
	[sflag:s26] =	ssyncadd.s32 $0xFFFFC000  }
0x172: {  	[tilespmem:s20], [sflag:$0x1] =	stream.indirect.gather [hbm4b:s4+s23], $0x80, s17, s23, $0xb8;
	[tilespmem:$0x1D000] =	vst v63  }
0x173: {  	_ =	swait.ge [sflag:s28], $0x4000  }
0x174: {  	[sflag:s28] =	ssyncset.done $0x0  }
0x175: {  	[sflag:s28] =	ssyncadd.s32 $0xFFFFC000  }
0x176: {  	[spmem:s2] =	stream.indirect.scatter.add.f32 [tilespmem:s24], [sflag:$0x4], $0x80, s23, s23, $0xb8;
	[tilespmem:$0x1D000] =	vst v63  }
0x177: {  	_ =	swait.ge [sflag:s29], $0x4000  }
0x178: {  	[sflag:s29] =	ssyncset.done $0x0  }
0x179: {  	s18 =	rddreg [dreg:$0x8];
	[sflag:s29] =	ssyncadd.s32 $0xFFFFC000  }
0x17a: {  	[tilespmem:s24], [sflag:$0x2] =	stream.indirect.gather [hbm4b:s4+s23], $0x80, s18, s23, $0xb8;
	[tilespmem:$0x1D000] =	vst v63  }
0x17b: {  	_ =	swait.ge [sflag:s25], $0x4000  }
0x17c: {  	[sflag:s25] =	ssyncset.done $0x0  }
0x17d: {  	s19 =	rddreg [dreg:$0x9];
	[sflag:s25] =	ssyncadd.s32 $0xFFFFC000  }
0x17e: {  	[spmem:s2] =	stream.indirect.scatter.add.f32 [tilespmem:s20], [sflag:$0x3], $0x80, s19, s23, $0xb8;
	[tilespmem:$0x1D000] =	vst v63  }
0x17f: {  	_ =	swait.ge [sflag:s26], $0x4000  }
0x180: {  	[sflag:s26] =	ssyncset.done $0x0  }
0x181: {  	s17 =	rddreg [dreg:$0xa];
	[sflag:s26] =	ssyncadd.s32 $0xFFFFC000  }
0x182: {  	[tilespmem:s20], [sflag:$0x1] =	stream.indirect.gather [hbm4b:s4+s23], $0x80, s17, s23, $0xb8;
	[tilespmem:$0x1D000] =	vst v63  }
0x183: {  	_ =	swait.ge [sflag:s28], $0x4000  }
0x184: {  	[sflag:s28] =	ssyncset.done $0x0  }
0x185: {  	s18 =	rddreg [dreg:$0xb];
	[sflag:s28] =	ssyncadd.s32 $0xFFFFC000  }
0x186: {  	[spmem:s2] =	stream.indirect.scatter.add.f32 [tilespmem:s24], [sflag:$0x4], $0x80, s18, s23, $0xb8;
	[tilespmem:$0x1D000] =	vst v63  }
0x187: {  	_ =	swait.ge [sflag:s29], $0x4000  }
0x188: {  	[sflag:s29] =	ssyncset.done $0x0  }
0x189: {  	s19 =	rddreg [dreg:$0xc];
	[sflag:s29] =	ssyncadd.s32 $0xFFFFC000  }
0x18a: {  	[tilespmem:s24], [sflag:$0x2] =	stream.indirect.gather [hbm4b:s4+s23], $0x80, s19, s23, $0xb8;
	[tilespmem:$0x1D000] =	vst v63  }
0x18b: {  	_ =	swait.ge [sflag:s25], $0x4000  }
0x18c: {  	[sflag:s25] =	ssyncset.done $0x0  }
0x18d: {  	s17 =	rddreg [dreg:$0xd];
	[sflag:s25] =	ssyncadd.s32 $0xFFFFC000  }
0x18e: {  	[spmem:s2] =	stream.indirect.scatter.add.f32 [tilespmem:s20], [sflag:$0x3], $0x80, s17, s23, $0xb8;
	[tilespmem:$0x1D000] =	vst v63  }
0x18f: {  	_ =	swait.ge [sflag:s26], $0x4000  }
0x190: {  	[sflag:s26] =	ssyncset.done $0x0  }
0x191: {  	s18 =	rddreg [dreg:$0xe];
	[sflag:s26] =	ssyncadd.s32 $0xFFFFC000  }
0x192: {  	[tilespmem:s20], [sflag:$0x1] =	stream.indirect.gather [hbm4b:s4+s23], $0x80, s18, s23, $0xb8;
	[tilespmem:$0x1D000] =	vst v63  }
0x193: {  	_ =	swait.ge [sflag:s28], $0x4000  }
0x194: {  	[sflag:s28] =	ssyncset.done $0x0  }
0x195: {  	s19 =	rddreg [dreg:$0xf];
	[sflag:s28] =	ssyncadd.s32 $0xFFFFC000  }
0x196: {  	[spmem:s2] =	stream.indirect.scatter.add.f32 [tilespmem:s24], [sflag:$0x4], $0x80, s19, s23, $0xb8;
	[tilespmem:$0x1D000] =	vst v63  }
0x197: {  	_ =	swait.ge [sflag:s29], $0x4000  }
0x198: {  	[sflag:s29] =	ssyncset.done $0x0  }
0x199: {  	s17 =	rddreg [dreg:$0x10];
	[sflag:s29] =	ssyncadd.s32 $0xFFFFC000  }
0x19a: {  	[tilespmem:s24], [sflag:$0x2] =	stream.indirect.gather [hbm4b:s4+s23], $0x80, s17, s23, $0xb8;
	[tilespmem:$0x1D000] =	vst v63  }
0x19b: {  	_ =	swait.ge [sflag:s25], $0x4000  }
0x19c: {  	[sflag:s25] =	ssyncset.done $0x0  }
0x19d: {  	s18 =	rddreg [dreg:$0x11];
	[sflag:s25] =	ssyncadd.s32 $0xFFFFC000  }
0x19e: {  	[spmem:s2] =	stream.indirect.scatter.add.f32 [tilespmem:s20], [sflag:$0x3], $0x80, s18, s23, $0xb8;
	[tilespmem:$0x1D000] =	vst v63  }
0x19f: {  	_ =	swait.ge [sflag:s26], $0x4000  }
0x1a0: {  	[sflag:s26] =	ssyncset.done $0x0  }
0x1a1: {  	s19 =	rddreg [dreg:$0x12];
	[sflag:s26] =	ssyncadd.s32 $0xFFFFC000  }
0x1a2: {  	[tilespmem:s20], [sflag:$0x1] =	stream.indirect.gather [hbm4b:s4+s23], $0x80, s19, s23, $0xb8;
	[tilespmem:$0x1D000] =	vst v63  }
0x1a3: {  	_ =	swait.ge [sflag:s28], $0x4000  }
0x1a4: {  	[sflag:s28] =	ssyncset.done $0x0  }
0x1a5: {  	s17 =	rddreg [dreg:$0x13];
	[sflag:s28] =	ssyncadd.s32 $0xFFFFC000  }
0x1a6: {  	[spmem:s2] =	stream.indirect.scatter.add.f32 [tilespmem:s24], [sflag:$0x4], $0x80, s17, s23, $0xb8;
	[tilespmem:$0x1D000] =	vst v63  }
0x1a7: {  	_ =	swait.ge [sflag:s29], $0x4000  }
0x1a8: {  	[sflag:s29] =	ssyncset.done $0x0  }
0x1a9: {  	[sflag:s29] =	ssyncadd.s32 $0xFFFFC000  }
0x1aa: {  	[tilespmem:s24], [sflag:$0x2] =	stream.indirect.gather [hbm4b:s4+s23], $0x80, s30, s23, $0xb8;
	[tilespmem:$0x1D000] =	vst v63  }
0x1ab: {  	_ =	swait.ge [sflag:s25], $0x4000  }
0x1ac: {  	[sflag:s25] =	ssyncset.done $0x0  }
0x1ad: {  	[sflag:s25] =	ssyncadd.s32 $0xFFFFC000  }
0x1ae: {  	[spmem:s2] =	stream.indirect.scatter.add.f32 [tilespmem:s20], [sflag:$0x3], $0x80, s31, s23, $0xb8;
	[tilespmem:$0x1D000] =	vst v63  }
0x1af: {  	_ =	swait.ge [sflag:s26], $0x4000  }
0x1b0: {  	[sflag:s26] =	ssyncset.done $0x0  }
0x1b1: {  	[sflag:s26] =	ssyncadd.s32 $0xFFFFC000  }
0x1b2: {  	[tilespmem:s20], [sflag:$0x1] =	stream.indirect.gather [hbm4b:s4+s23], $0x80, s0, s23, $0xb8;
	[tilespmem:$0x1D000] =	vst v63  }
0x1b3: {  	_ =	swait.ge [sflag:s28], $0x4000  }
0x1b4: {  	[sflag:s28] =	ssyncset.done $0x0  }
0x1b5: {  	[sflag:s28] =	ssyncadd.s32 $0xFFFFC000  }
0x1b6: {  	[spmem:s2] =	stream.indirect.scatter.add.f32 [tilespmem:s24], [sflag:$0x4], $0x80, s1, s23, $0xb8;
	[tilespmem:$0x1D000] =	vst v63  }
0x1b7: {  	_ =	swait.ge [sflag:s29], $0x4000  }
0x1b8: {  	[sflag:s29] =	ssyncset.done $0x0  }
0x1b9: {  	[sflag:s29] =	ssyncadd.s32 $0xFFFFC000  }
0x1ba: {  	[tilespmem:s24], [sflag:$0x2] =	stream.indirect.gather [hbm4b:s4+s23], $0x80, s6, s23, $0xb8;
	[tilespmem:$0x1D000] =	vst v63  }
0x1bb: {  	_ =	swait.ge [sflag:s25], $0x4000  }
0x1bc: {  	[sflag:s25] =	ssyncset.done $0x0  }
0x1bd: {  	[sflag:s25] =	ssyncadd.s32 $0xFFFFC000  }
0x1be: {  	[spmem:s2] =	stream.indirect.scatter.add.f32 [tilespmem:s20], [sflag:$0x3], $0x80, s7, s23, $0xb8;
	[tilespmem:$0x1D000] =	vst v63  }
0x1bf: {  	_ =	swait.ge [sflag:s26], $0x4000  }
0x1c0: {  	[sflag:s26] =	ssyncset.done $0x0  }
0x1c1: {  	[sflag:s26] =	ssyncadd.s32 $0xFFFFC000  }
0x1c2: {  	[tilespmem:s20], [sflag:$0x1] =	stream.indirect.gather [hbm4b:s4+s23], $0x80, s8, s23, $0xb8;
	[tilespmem:$0x1D000] =	vst v63  }
0x1c3: {  	_ =	swait.ge [sflag:s28], $0x4000  }
0x1c4: {  	[sflag:s28] =	ssyncset.done $0x0  }
0x1c5: {  	[sflag:s28] =	ssyncadd.s32 $0xFFFFC000  }
0x1c6: {  	[spmem:s2] =	stream.indirect.scatter.add.f32 [tilespmem:s24], [sflag:$0x4], $0x80, s9, s23, $0xb8;
	[tilespmem:$0x1D000] =	vst v63  }
0x1c7: {  	_ =	swait.ge [sflag:s29], $0x4000  }
0x1c8: {  	[sflag:s29] =	ssyncset.done $0x0  }
0x1c9: {  	[sflag:s29] =	ssyncadd.s32 $0xFFFFC000  }
0x1ca: {  	[tilespmem:s24], [sflag:$0x2] =	stream.indirect.gather [hbm4b:s4+s23], $0x80, s10, s23, $0xb8;
	[tilespmem:$0x1D000] =	vst v63  }
0x1cb: {  	_ =	swait.ge [sflag:s25], $0x4000  }
0x1cc: {  	[sflag:s25] =	ssyncset.done $0x0  }
0x1cd: {  	[sflag:s25] =	ssyncadd.s32 $0xFFFFC000  }
0x1ce: {  	[spmem:s2] =	stream.indirect.scatter.add.f32 [tilespmem:s20], [sflag:$0x3], $0x80, s11, s23, $0xb8;
	[tilespmem:$0x1D000] =	vst v63  }
0x1cf: {  	_ =	swait.ge [sflag:s26], $0x4000  }
0x1d0: {  	[sflag:s26] =	ssyncset.done $0x0  }
0x1d1: {  	[sflag:s26] =	ssyncadd.s32 $0xFFFFC000  }
0x1d2: {  	[tilespmem:s20], [sflag:$0x1] =	stream.indirect.gather [hbm4b:s4+s23], $0x80, s12, s23, $0xb8;
	[tilespmem:$0x1D000] =	vst v63  }
0x1d3: {  	_ =	swait.ge [sflag:s28], $0x4000  }
0x1d4: {  	[sflag:s28] =	ssyncset.done $0x0  }
0x1d5: {  	[sflag:s28] =	ssyncadd.s32 $0xFFFFC000  }
0x1d6: {  	[spmem:s2] =	stream.indirect.scatter.add.f32 [tilespmem:s24], [sflag:$0x4], $0x80, s13, s23, $0xb8;
	[tilespmem:$0x1D000] =	vst v63  }
0x1d7: {  	_ =	swait.ge [sflag:s29], $0x4000  }
0x1d8: {  	[sflag:s29] =	ssyncset.done $0x0  }
0x1d9: {  	[sflag:s29] =	ssyncadd.s32 $0xFFFFC000  }
0x1da: {  	[tilespmem:s24], [sflag:$0x2] =	stream.indirect.gather [hbm4b:s4+s23], $0x80, s14, s23, $0xb8;
	[tilespmem:$0x1D000] =	vst v63  }
0x1db: {  	_ =	swait.ge [sflag:s25], $0x4000  }
0x1dc: {  	[sflag:s25] =	ssyncset.done $0x0  }
0x1dd: {  	[sflag:s25] =	ssyncadd.s32 $0xFFFFC000  }
0x1de: {  	[spmem:s2] =	stream.indirect.scatter.add.f32 [tilespmem:s20], [sflag:$0x3], $0x80, s15, s23, $0xb8;
	[tilespmem:$0x1D000] =	vst v63  }
0x1df: {  	_ =	swait.ge [sflag:s28], $0x4000  }
0x1e0: {  	[sflag:s28] =	ssyncset.done $0x0  }
0x1e1: {  	[sflag:s28] =	ssyncadd.s32 $0xFFFFC000  }
0x1e2: {  	[spmem:s2] =	stream.indirect.scatter.add.f32 [tilespmem:s24], [sflag:$0x4], $0x80, s16, s23, $0xb8;
	[tilespmem:$0x1D000] =	vst v63  }
0x1e3: {  	_ =	swait.ge [sflag:s26], $0x4000  }
0x1e4: {  	[sflag:s26] =	ssyncset.done $0x0  }
0x1e5: {  	[sflag:s26] =	ssyncadd.s32 $0xFFFFC000  }
0x1e6: {  	_ =	swait.ge [sflag:s29], $0x4000  }
0x1e7: {  	[sflag:s29] =	ssyncset.done $0x0  }
0x1e8: {  	[sflag:s29] =	ssyncadd.s32 $0xFFFFC000  }
0x1e9: {  	[bflag:$0x0] =	sbarrier.arrive $0xFFFF  }
0x1ea: {  	s18 =	rddreg [dreg:$0x14]  }
0x1eb: {  	[tilespmem:s20], [sflag:$0x5] =	stream.linear.gather [spmem:s18], $0x4000, $0x38;
	[tilespmem:$0x1D000] =	vst v63  }
0x1ec: {  	_ =	swait.ge [sflag:s21], $0x4000  }
0x1ed: {  	[sflag:s21] =	ssyncset.done $0x0  }
0x1ee: {  	s19 =	rddreg [dreg:$0x1a];
	[sflag:s21] =	ssyncadd.s32 $0xFFFFC000  }
0x1ef: {  	[hbm4b:s19+s3] =	stream.linear.scatter [tilespmem:s20], [sflag:$0x5], $0x4000, $0x38;
	[tilespmem:$0x1D000] =	vst v63  }
0x1f0: {  	_ =	swait.ge [sflag:s21], $0x4000  }
0x1f1: {  	[sflag:s21] =	ssyncset.done $0x0  }
0x1f2: {  	s17 =	rddreg [dreg:$0x1b];
	[sflag:s21] =	ssyncadd.s32 $0xFFFFC000  }
0x1f3: {  	[tilespmem:s20], [sflag:$0x5] =	stream.linear.gather [spmem:s17], $0x4000, $0x38;
	[tilespmem:$0x1D000] =	vst v63  }
0x1f4: {  	_ =	swait.ge [sflag:s21], $0x4000  }
0x1f5: {  	[sflag:s21] =	ssyncset.done $0x0  }
0x1f6: {  	s18 =	rddreg [dreg:$0x1c];
	[sflag:s21] =	ssyncadd.s32 $0xFFFFC000  }
0x1f7: {  	[hbm4b:s18+s3] =	stream.linear.scatter [tilespmem:s20], [sflag:$0x5], $0x4000, $0x38;
	[tilespmem:$0x1D000] =	vst v63  }
0x1f8: {  	_ =	swait.ge [sflag:s21], $0x4000  }
0x1f9: {  	[sflag:s21] =	ssyncset.done $0x0  }
0x1fa: {  	s19 =	rddreg [dreg:$0x1d];
	[sflag:s21] =	ssyncadd.s32 $0xFFFFC000  }
0x1fb: {  	[tilespmem:s20], [sflag:$0x5] =	stream.linear.gather [spmem:s19], $0x4000, $0x38;
	[tilespmem:$0x1D000] =	vst v63  }
0x1fc: {  	_ =	swait.ge [sflag:s21], $0x4000  }
0x1fd: {  	[sflag:s21] =	ssyncset.done $0x0  }
0x1fe: {  	s17 =	rddreg [dreg:$0x1e];
	[sflag:s21] =	ssyncadd.s32 $0xFFFFC000  }
0x1ff: {  	[hbm4b:s17+s3] =	stream.linear.scatter [tilespmem:s20], [sflag:$0x5], $0x4000, $0x38;
	[tilespmem:$0x1D000] =	vst v63  }
0x200: {  	_ =	swait.ge [sflag:s21], $0x4000  }
0x201: {  	[sflag:s21] =	ssyncset.done $0x0  }
0x202: {  	s18 =	rddreg [dreg:$0x1f];
	[sflag:s21] =	ssyncadd.s32 $0xFFFFC000  }
0x203: {  	[tilespmem:s20], [sflag:$0x5] =	stream.linear.gather [spmem:s18], $0x4000, $0x38;
	[tilespmem:$0x1D000] =	vst v63  }
0x204: {  	_ =	swait.ge [sflag:s21], $0x4000  }
0x205: {  	s19 =	sld [smem:$0x7FB]  }
0x206: {  	[sflag:s21] =	ssyncset.done $0x0  }
0x207: {  	[sflag:s21] =	ssyncadd.s32 $0xFFFFC000  }
0x208: {  	[hbm4b:s19+s3] =	stream.linear.scatter [tilespmem:s20], [sflag:$0x5], $0x4000, $0x38;
	[tilespmem:$0x1D000] =	vst v63  }
0x209: {  	_ =	swait.ge [sflag:s21], $0x4000  }
0x20a: {  	s17 =	sld [smem:$0x7FC]  }
0x20b: {  	[sflag:s21] =	ssyncset.done $0x0  }
0x20c: {  	[sflag:s21] =	ssyncadd.s32 $0xFFFFC000  }
0x20d: {  	[tilespmem:s20], [sflag:$0x5] =	stream.linear.gather [spmem:s17], $0x4000, $0x38;
	[tilespmem:$0x1D000] =	vst v63  }
0x20e: {  	_ =	swait.ge [sflag:s21], $0x4000  }
0x20f: {  	s18 =	sld [smem:$0x7FD]  }
0x210: {  	[sflag:s21] =	ssyncset.done $0x0  }
0x211: {  	[sflag:s21] =	ssyncadd.s32 $0xFFFFC000  }
0x212: {  	[hbm4b:s18+s3] =	stream.linear.scatter [tilespmem:s20], [sflag:$0x5], $0x4000, $0x38;
	[tilespmem:$0x1D000] =	vst v63  }
0x213: {  	_ =	swait.ge [sflag:s21], $0x4000  }
0x214: {  	s17 =	sld [smem:$0x7FA];
	_ =	sdelay $0x2  }
0x215: {  	s19 =	rddreg [dreg:$0x15];
	s17 =	sadd.s32 $0x1, s17  }
0x216: {  	p0 =	sne.s32 s17, s19  }
.Ltmp2:
0x217: {  	_ = 	snop;
	(pc) =	sbr.rel @p0 .LBB2_1-.Ltmp2, $3  }
0x218: {  	_ =	sdelay $0x1  }
0x219: {  	[sflag:s21] =	ssyncset.done $0x0  }
0x21a: {  	[sflag:s21] =	ssyncadd.s32 $0xFFFFC000  }
0x21b: {  	_ =	sfence.sel $0x180000  }
0x21c: {  	[bflag:$0x0] =	sbarrier.arrive $0xFFFF  }
0x21d: {  	_ =	strace $0x9000004A  }
0x21e: {  	s0 =	stileid.u32;
	[bflag:$0x2] =	sbarrier.arrive $0xFFFF  }
0x21f: {  	p0 =	sne.s32 s0, $0x0;
	s0 =	rddreg [dreg:$0x3]  }
0x220: {  	s0 =	sadd.s32 @!p0 $0x100000, s0  }
0x221: {  	[sflag:s0] =	ssyncadd.tile.s32 @!p0 $0x1;
	_ =	shalt  }
.Lfunc_end2:
_tile_overlayer_lowered:
.L_overlay_start_2:
0x222: {  	(tag) =	ssettag $0x2  }
0x223: {  	s0 =	rddreg [dreg:$0x0];
	s2 =	stileid.u32  }
0x224: {  	s1 =	rddreg [dreg:$0x1];
	p0 =	sne.s32 s2, $0x0  }
0x225: {  	s3 =	rddreg [dreg:$0x2];
	[bflag:$0x3] =	sbarrier.arrive $0xFFFF;
	s2 =	simm.s32 @!p0 $0x1C05  }
0x226: {  	[timem:s3], [sflag:s2] =	dma.local @!p0 [hbm:s0], s1  }
0x227: {  	s0 =	simm.s32 @!p0 $0x5  }
0x228: {  	_ =	swait.ge @!p0 [sflag:s0], s1  }
0x229: {  	s1 =	ssub.s32 @!p0 $0x0, s1;
	[sflag:s0] =	ssyncset.done @!p0 $0x0  }
0x22a: {  	[sflag:s0] =	ssyncadd.s32 @!p0 s1  }
0x22b: {  	[bflag:$0x3] =	sbarrier.arrive $0xFFFF  }
0x22c: {  	_ =	shalt  }

// kernel: kernel.7.cloned.1.call-start
scs
__scs_entry_jumppad:
0x0: {  	(pc) =	sbr.rel $0x88, $3  }
0x1: {  	(tag) =	ssettag $0x0;
	lr =	simm.s32 $0x1  }
0x2: {  	[smem:$0x3F9D] =	sst lr;
	_ =	strace $0xD0000000  }
0x3: {  	_ = 	snop  }
0x4: {  	_ = 	snop  }
0x5: {  	_ = 	snop  }
0x6: {  	_ = 	snop  }
0x7: {  	_ = 	snop  }
__scs_overlays_trampoline_lowered:
0x8: {  	[smem:$0x3FAC] =	sst s0  }
0x9: {  	[smem:$0x3FAD] =	sst s1  }
0xa: {  	[smem:$0x3FAE] =	sst s2  }
0xb: {  	[smem:$0x3FAF] =	sst s3  }
0xc: {  	[smem:$0x3FB0] =	sst s4  }
0xd: {  	[smem:$0x3FB1] =	sst s5  }
0xe: {  	[smem:$0x3FB2] =	sst s6  }
0xf: {  	[smem:$0x3FB3] =	sst s7  }
0x10: {  	[smem:$0x3FB4] =	sst s8  }
0x11: {  	[smem:$0x3FB5] =	sst s9;
	s0 =	simm.s32 @!p0 $0x0  }
0x12: {  	s1 =	sld [smem:$0x3F9B];
	s0 =	simm.s32 @p0 $0x1  }
0x13: {  	[smem:$0x3FB6] =	sst s0;
	s0 =	simm.s32 @!p1 $0x0  }
0x14: {  	s2 =	sld [smem:$0x3F9A];
	s0 =	simm.s32 @p1 $0x1  }
0x15: {  	[smem:$0x3FB7] =	sst s0;
	s0 =	simm.s32 @!p2 $0x0  }
0x16: {  	s3 =	sld [smem:$0x3FDB];
	s0 =	simm.s32 @p2 $0x1  }
0x17: {  	s4 =	simm.s32 $0x1BF5;
	[smem:$0x3FB9] =	sst s0  }
0x18: {  	s0 =	sld [smem:$0x3F9C];
	_ =	swait.ge [sflag:s4], $0x0  }
0x19: {  	s7 =	sld [smem:$0x3F9D]  }
0x1a: {  	s8 =	sadd.s32 $0xFFFFE003, lr  }
0x1b: {  	s9 =	sadd.s32 $0xFFFFFEF7, lr;
	s5 =	simm.s32 $0xFFFFFFFF;
	p2 =	slt.u32 s8, $0xFFFFF086  }
0x1c: {  	p1 =	slt.u32 s9, $0xF7A;
	s5 =	simm.s32 @!p2 $0x0  }
0x1d: {  	s5 =	simm.s32 @p1 $0x1;
	p0 =	seq.s32 s7, s2  }
0x1e: {  	s7 =	smul.u32 @!p0 $0xF7A, s2;
	p2 =	seq.s32 @!p0 s5, $0x0  }
0x1f: {  	s9 =	smul.u32 $0xF7A, s1;
	s8 =	simm.s32 @!p0 $0x1BF5;
	p2 =	por !p2, p0  }
0x20: {  	[sflag:s8] =	ssyncset.s32 @!p0 $0xFFFFF086;
	s6 =	sadd.s32 @!p0 s3, s7;
	s7 =	simm.s32 @!p0 $0x108  }
0x21: {  	s3 =	sadd.s32 s3, s9;
	s6 =	sadd.s32 @!p0 $0x88, s6;
	s7 =	simm.s32 @p2 $0x1082  }
0x22: {  	[simem:s7], [sflag:s8] =	dma.local @!p0 [hbm:s6], $0xF7A  }
0x23: {  	s9 =	sor.u32 $0xD0000000, s2;
	s6 =	simm.s32 $0x108;
	_ =	swait.ge @!p0 [sflag:s8], $0x0  }
0x24: {  	s3 =	sadd.s32 $0x88, s3;
	s6 =	simm.s32 @!p1 $0x1082;
	[sflag:s4] =	ssyncset.s32 $0xFFFFF086  }
0x25: {  	[simem:s6], [sflag:s4] =	dma.local [hbm:s3], $0xF7A  }
0x26: {  	[smem:$0x3F9D] =	sst s1;
	(tag) =	ssettag s2;
	_ =	strace s9  }
0x27: {  	s1 =	sld [smem:$0x3FAD]  }
0x28: {  	s2 =	sld [smem:$0x3FAE]  }
0x29: {  	s4 =	sld [smem:$0x3FB0]  }
0x2a: {  	p0 =	seq.s32 s5, $0x0;
	s5 =	sld [smem:$0x3FB1]  }
0x2b: {  	s6 =	sld [smem:$0x3FB2]  }
0x2c: {  	s7 =	sld [smem:$0x3FB3]  }
0x2d: {  	s3 =	simm.s32 $0x108;
	s8 =	sld [smem:$0x3FB4]  }
0x2e: {  	s3 =	simm.s32 @!p0 $0x1082;
	s9 =	sld [smem:$0x3FB5]  }
0x2f: {  	lr =	sadd.s32 s0, s3;
	s0 =	sld [smem:$0x3FAC]  }
0x30: {  	s3 =	sld [smem:$0x3FAF]  }
0x31: {  	[smem:$0x3FB8] =	sst s10  }
0x32: {  	s10 =	sld [smem:$0x3FB6];
	_ =	sdelay $0x3  }
0x33: {  	p0 =	seq.s32 s10, $0x1;
	s10 =	sld [smem:$0x3FB8];
	_ =	sdelay $0x3  }
0x34: {  	[smem:$0x3FB8] =	sst s10  }
0x35: {  	s10 =	sld [smem:$0x3FB7];
	_ =	sdelay $0x3  }
0x36: {  	p1 =	seq.s32 s10, $0x1;
	s10 =	sld [smem:$0x3FB8];
	_ =	sdelay $0x3  }
0x37: {  	[smem:$0x3FB8] =	sst s10  }
0x38: {  	s10 =	sld [smem:$0x3FB9]  }
0x39: {  	_ = 	snop;
	(pc) =	sbr.ind lr, $3  }
0x3a: {  	_ = 	snop  }
0x3b: {  	_ = 	snop  }
0x3c: {  	p2 =	seq.s32 s10, $0x1;
	s10 =	sld [smem:$0x3FB8]  }
0x3d: {  	_ =	shalt  }
0x3e: {  	_ =	shalt  }
0x3f: {  	_ =	shalt  }
0x40: {  	_ =	shalt  }
0x41: {  	_ =	shalt  }
0x42: {  	_ =	shalt  }
0x43: {  	_ =	shalt  }
0x44: {  	_ =	shalt  }
0x45: {  	_ =	shalt  }
0x46: {  	_ =	shalt  }
0x47: {  	_ =	shalt  }
0x48: {  	_ =	shalt  }
0x49: {  	_ =	shalt  }
0x4a: {  	_ =	shalt  }
0x4b: {  	_ =	shalt  }
0x4c: {  	_ =	shalt  }
0x4d: {  	_ =	shalt  }
0x4e: {  	_ =	shalt  }
0x4f: {  	_ =	shalt  }
0x50: {  	_ =	shalt  }
0x51: {  	_ =	shalt  }
0x52: {  	_ =	shalt  }
0x53: {  	_ =	shalt  }
0x54: {  	_ =	shalt  }
0x55: {  	_ =	shalt  }
0x56: {  	_ =	shalt  }
0x57: {  	_ =	shalt  }
0x58: {  	_ =	shalt  }
0x59: {  	_ =	shalt  }
0x5a: {  	_ =	shalt  }
0x5b: {  	_ =	shalt  }
0x5c: {  	_ =	shalt  }
0x5d: {  	_ =	shalt  }
0x5e: {  	_ =	shalt  }
0x5f: {  	_ =	shalt  }
0x60: {  	_ =	shalt  }
0x61: {  	_ =	shalt  }
0x62: {  	_ =	shalt  }
0x63: {  	_ =	shalt  }
0x64: {  	_ =	shalt  }
0x65: {  	_ =	shalt  }
0x66: {  	_ =	shalt  }
0x67: {  	_ =	shalt  }
0x68: {  	_ =	shalt  }
0x69: {  	_ =	shalt  }
0x6a: {  	_ =	shalt  }
0x6b: {  	_ =	shalt  }
0x6c: {  	_ =	shalt  }
0x6d: {  	_ =	shalt  }
0x6e: {  	_ =	shalt  }
0x6f: {  	_ =	shalt  }
0x70: {  	_ =	shalt  }
0x71: {  	_ =	shalt  }
0x72: {  	_ =	shalt  }
0x73: {  	_ =	shalt  }
0x74: {  	_ =	shalt  }
0x75: {  	_ =	shalt  }
0x76: {  	_ =	shalt  }
0x77: {  	_ =	shalt  }
0x78: {  	_ =	shalt  }
0x79: {  	_ =	shalt  }
0x7a: {  	_ =	shalt  }
0x7b: {  	_ =	shalt  }
0x7c: {  	_ =	shalt  }
0x7d: {  	_ =	shalt  }
0x7e: {  	_ =	shalt  }
0x7f: {  	_ =	shalt  }
0x80: {  	_ =	shalt  }
0x81: {  	_ =	shalt  }
0x82: {  	_ =	shalt  }
0x83: {  	_ =	shalt  }
0x84: {  	_ =	shalt  }
0x85: {  	_ =	shalt  }
0x86: {  	_ =	shalt  }
0x87: {  	_ =	shalt  }
.Lfunc_end0:
.L_simem_size_0:
called_computation_lowered:
.L_overlay_start_0:
0x88: {  	s2 =	sld [smem:$0x3FD9]  }
0x89: {  	s3 =	sld [smem:$0x3FFE];
	_ =	sdelay $0x1  }
0x8a: {  	s1 =	srdreg.scid  }
0x8b: {  	s0 =	sand.u32 $0x1, s1  }
0x8c: {  	s17 =	sshll.u32 s0, $0xA;
	s2 =	sadd.s32 s3, s2  }
0x8d: {  	s2 =	sadd.s32 s2, s17  }
0x8e: {  	[smem:$0x3FC4] =	sst s2  }
0x8f: {  	_ = 	snop  }
0x90: {  	s2 =	sld [smem:$0x3FD0];
	(tm) =	ssettm $0x1  }
0x91: {  	s18 =	sld [smem:$0x3FFB];
	_ =	sdelay $0x3  }
0x92: {  	_ =	strace s18  }
0x93: {  	s3 =	sld [smem:$0x3FFC];
	_ =	sdelay $0x3  }
0x94: {  	_ =	strace s3  }
0x95: {  	s3 =	sld [smem:$0x3FFD];
	_ =	sdelay $0x3  }
0x96: {  	_ =	strace s3  }
0x97: {  	_ =	strace $0x8FFFFFFF  }
0x98: {  	s19 =	sld [smem:$0x3FDB];
	_ =	sdelay $0x1  }
0x99: {  	s4 =	simm.s32 $_scs_section_size  }
0x9a: {  	s5 =	simm.s32 $_size__tile_overlayer_lowered;
	s6 =	simm.s32 $_tile_overlayer_lowered  }
0x9b: {  	s22 =	simm.s32 $0x1BFF;
	s21 =	sshll.u32 s6, $0x1;
	s3 =	sadd.s32 s4, s19  }
0x9c: {  	s7 =	simm.s32 $0x0;
	s20 =	sshll.u32 s5, $0x1;
	s5 =	sadd.s32 s21, s3  }
0x9d: {  	[timem:s7], [sflag:s22] =	dma.local [hbm:s5], s20  }
0x9e: {  	_ =	swait.ge [sflag:s22], s20  }
0x9f: {  	s4 =	ssub.s32 $0x0, s20;
	[sflag:s22] =	ssyncset.done $0x0  }
0xa0: {  	[sflag:s22] =	ssyncadd.s32 s4;
	_ =	sdelay $0x1  }
0xa1: {  	s23 =	simm.s32 $0x1B8B  }
0xa2: {  	_ =	swait.ge [sflag:s23], $0x1  }
0xa3: {  	[sflag:s23] =	ssyncset.done $0x0  }
0xa4: {  	s25 =	simm.s32 $0x1B8E;
	s24 =	sld [smem:$0x3FFE];
	[sflag:s23] =	ssyncadd.s32 $0xFFFFFFFF  }
0xa5: {  	s26 =	simm.s32 $execute0_lowered;
	[smem:$0x3FD2] =	sst s25  }
0xa6: {  	s5 =	sshll.u32 s26, $0x1;
	_ =	strace $0x80000046;
	[dreg:$0x1] =	wrdreg $0xFFFFFFFF  }
0xa7: {  	s28 =	simm.s32 $_size_execute0_lowered;
	s3 =	sadd.s32 s3, s5;
	[dreg:$0x0] =	wrdreg $0x0  }
0xa8: {  	s5 =	sshll.u32 s28, $0x1;
	[dreg:$0x2] =	wrdreg s3  }
0xa9: {  	[dreg:$0x3] =	wrdreg s5  }
0xaa: {  	[dreg:$0x4] =	wrdreg $0xC0  }
0xab: {  	_ =	task [dreg:s7], $0x5FFFF  }
0xac: {  	[dreg:$0x1] =	wrdreg $0xFFFFFFFF  }
0xad: {  	[dreg:$0x0] =	wrdreg $0x60  }
0xae: {  	[dreg:$0x2] =	wrdreg s2  }
0xaf: {  	[dreg:$0x3] =	wrdreg s24  }
0xb0: {  	[dreg:$0x4] =	wrdreg $0x2B000  }
0xb1: {  	[dreg:$0x5] =	wrdreg $0x9  }
0xb2: {  	_ =	task.clear_ibuf [dreg:s7], $0x6FFFF;
	_ =	strace $0x90000046  }
0xb3: {  	s29 =	simm.s32 $0x9;
	_ =	strace $0x80000048  }
0xb4: {  	_ =	swait.ge [sflag:s29], $0x1  }
0xb5: {  	[sflag:s29] =	ssyncadd.s32 $0xFFFFFFFF  }
0xb6: {  	_ =	strace $0x90000048  }
0xb7: {  	_ =	sfence  }
0xb8: {  	s30 =	sld [smem:$0x0];
	_ =	sdelay $0x2  }
0xb9: {  	s31 =	sshll.u32 s1, $0xD;
	s1 =	sshrl.u32 s1, $0x2  }
0xba: {  	s3 =	sand.u32 $0x4000, s31;
	s1 =	sadd.s32 s1, s30  }
0xbb: {  	s0 =	sor.u32 s3, s0;
	s1 =	sshll.u32 s1, $0x11  }
0xbc: {  	s0 =	sor.u32 s1, s0  }
0xbd: {  	s0 =	sadd.s32 $0x8F2B, s0  }
0xbe: {  	[sflag:s0] =	ssyncadd.remote.s32 $0x1  }
0xbf: {  	_ =	sfence.sel $0xFFFF  }
0xc0: {  	[dreg:$0x0] =	wrdreg $0xFFFFFFFF;
	(pc) =	sbr.abs _section_cstart, $3  }
0xc1: {  	[dreg:$0x1] =	wrdreg $0xFFFFFFFF  }
0xc2: {  	_ =	task.clear_ibuf [dreg:s7], $0x2FFFF;
	_ =	strace $0x9FFFFFFF  }
0xc3: {  	(tm) =	ssettm $0x7FFFFFFF  }
tec
execute0_lowered:
.L_overlay_start_1:
0x0: {  	(tag) =	ssettag $0x1  }
0x1: {  	s5 =	rddreg [dreg:$0x0]  }
0x2: {  	s4 =	rddreg [dreg:$0x1]  }
0x3: {  	s2 =	rddreg [dreg:$0x2]  }
0x4: {  	s0 =	rddreg [dreg:$0x3];
	s3 =	simm.s32 $0x0;
	s6 =	srdreg.scid  }
0x5: {  	s1 =	stileid.u32;
	s11 =	simm.s32 $0x2800;
	s12 =	simm.s32 $0x100  }
0x6: {  	s13 =	simm.s32 $0x0;
	[smem:$0x7FF] =	sst s3;
	s7 =	smul.u32 $0x500, s1  }
0x7: {  	s6 =	sand.u32 $0x1, s6;
	s9 =	smul.u32 $0xA00, s1;
	_ =	strace $0x80000047  }
0x8: {  	s8 =	sshll.u32 s6, $0x7;
	s31 =	sshll.u32 s6, $0x4;
	s6 =	ssub.s32 $0x2, s6  }
0x9: {  	s7 =	sor.u32 s8, s7;
	s8 =	sor.u32 s1, s31;
	s10 =	sshrl.u32 s6, $0x1  }
0xa: {  	s9 =	sshrl.u32 s9, $0x2;
	s7 =	sshrl.u32 s7, $0x3;
	s8 =	smul.u32 $0x500, s8  }
0xb: {  	s10 =	ssub.s32 s6, s10;
	s7 =	sadd.s32 s7, s4;
	s4 =	sadd.s32 s9, s2  }
0xc: {  	s9 =	simm.s32 $0x1;
	s5 =	sadd.s32 s5, s8;
	s6 =	sadd.s32 $0xB600, s7  }
0xd: {  	v0 =	vimm.f32 $0.0e+00;
	v1 =	vimm.f32 $1.000000000e+00;
	s7 =	smax.u32 s10, $0x1;
	s8 =	simm.s32 $0x2880;
	s10 =	simm.s32 $0x80  }
.LBB2_1:
0xe: {  	[tilespmem:$0x2880] =	vst v0  }
0xf: {  	[tilespmem:$0x2890] =	vst v0  }
0x10: {  	[tilespmem:$0x28A0] =	vst v0  }
0x11: {  	[tilespmem:$0x28B0] =	vst v0  }
0x12: {  	[tilespmem:$0x28C0] =	vst v0  }
0x13: {  	[tilespmem:$0x28D0] =	vst v0  }
0x14: {  	[tilespmem:$0x28E0] =	vst v0  }
0x15: {  	[tilespmem:$0x28F0] =	vst v0  }
0x16: {  	[tilespmem:$0x2900] =	vst v0  }
0x17: {  	[tilespmem:$0x2910] =	vst v0  }
0x18: {  	[tilespmem:$0x2920] =	vst v0  }
0x19: {  	[tilespmem:$0x2930] =	vst v0  }
0x1a: {  	[tilespmem:$0x2940] =	vst v0  }
0x1b: {  	[tilespmem:$0x2950] =	vst v0  }
0x1c: {  	[tilespmem:$0x2960] =	vst v0  }
0x1d: {  	[tilespmem:$0x2970] =	vst v0  }
0x1e: {  	[tilespmem:$0x2980] =	vst v0  }
0x1f: {  	[tilespmem:$0x2990] =	vst v0  }
0x20: {  	[tilespmem:$0x29A0] =	vst v0  }
0x21: {  	[tilespmem:$0x29B0] =	vst v0  }
0x22: {  	[tilespmem:$0x29C0] =	vst v0  }
0x23: {  	[tilespmem:$0x29D0] =	vst v0  }
0x24: {  	[tilespmem:$0x29E0] =	vst v0  }
0x25: {  	[tilespmem:$0x29F0] =	vst v0  }
0x26: {  	[tilespmem:$0x2A00] =	vst v0  }
0x27: {  	[tilespmem:$0x2A10] =	vst v0  }
0x28: {  	[tilespmem:$0x2A20] =	vst v0  }
0x29: {  	[tilespmem:$0x2A30] =	vst v0  }
0x2a: {  	[tilespmem:$0x2A40] =	vst v0  }
0x2b: {  	[tilespmem:$0x2A50] =	vst v0  }
0x2c: {  	[tilespmem:$0x2A60] =	vst v0  }
0x2d: {  	[tilespmem:$0x2A70] =	vst v0  }
0x2e: {  	[tilespmem:$0x2A80] =	vst v0  }
0x2f: {  	[tilespmem:$0x2A90] =	vst v0  }
0x30: {  	[tilespmem:$0x2AA0] =	vst v0  }
0x31: {  	[tilespmem:$0x2AB0] =	vst v0  }
0x32: {  	[tilespmem:$0x2AC0] =	vst v0  }
0x33: {  	[tilespmem:$0x2AD0] =	vst v0  }
0x34: {  	[tilespmem:$0x2AE0] =	vst v0  }
0x35: {  	[tilespmem:$0x2AF0] =	vst v0  }
0x36: {  	[tilespmem:$0x2800] =	vst v1  }
0x37: {  	[tilespmem:$0x2810] =	vst v1  }
0x38: {  	[tilespmem:$0x2820] =	vst v1  }
0x39: {  	[tilespmem:$0x2830] =	vst v1  }
0x3a: {  	[tilespmem:$0x2840] =	vst v1  }
0x3b: {  	[tilespmem:$0x2850] =	vst v1  }
0x3c: {  	[tilespmem:$0x2860] =	vst v1  }
0x3d: {  	[tilespmem:$0x2870] =	vst v1  }
0x3e: {  	[spmem:s4] =	stream.linear.scatter [tilespmem:s8], [sflag:$0x1], $0x280, $0x38;
	[tilespmem:$0x2D80] =	vst v63  }
0x3f: {  	_ =	swait.ge [sflag:s9], $0x280  }
0x40: {  	[sflag:s9] =	ssyncset.done $0x0  }
0x41: {  	[sflag:s9] =	ssyncadd.s32 $0xFFFFFD80  }
0x42: {  	[bflag:$0x0] =	sbarrier.arrive $0xFFFF  }
0x43: {  	[tilespmem:s3], [sflag:$0x1] =	stream.linear.gather [hbm4b:s5+s3], $0x2800, $0x38;
	[tilespmem:$0x2D80] =	vst v63  }
0x44: {  	_ =	swait.ge [sflag:s9], $0x2800  }
0x45: {  	[sflag:s9] =	ssyncset.done $0x0  }
0x46: {  	s14 =	simm.s32 $0x0;
	[sflag:s9] =	ssyncadd.s32 $0xFFFFD800  }
0x47: {  	[spmem:s2] =	stream.indirect.scatter.add.f32 [tilespmem:s11], [sflag:$0x1], $0x1, s14, s10, $0xb8;
	[tilespmem:$0x2D80] =	vst v63  }
0x48: {  	_ =	swait.ge [sflag:s9], $0x80  }
0x49: {  	s14 =	simm.s32 $0x200;
	[sflag:s9] =	ssyncset.done $0x0  }
.LBB2_2:
0x4a: {  	s15 =	sshra.s32 s14, $0x2;
	[sflag:s9] =	ssyncadd.s32 $0xFFFFFF80;
	p0 =	sne.s32 s14, $0x9E00  }
0x4b: {  	[spmem:s2] =	stream.indirect.scatter.add.f32 [tilespmem:s11], [sflag:$0x1], $0x1, s15, s10, $0xb8;
	[tilespmem:$0x2D80] =	vst v63  }
.Ltmp0:
0x4c: {  	_ = 	snop;
	(pc) =	sbr.rel @p0 .LBB2_2-.Ltmp0, $4  }
0x4d: {  	_ = 	snop  }
0x4e: {  	s14 =	sadd.s32 $0x200, s14  }
0x4f: {  	_ =	swait.ge [sflag:s9], $0x80  }
0x50: {  	[sflag:s9] =	ssyncset.done $0x0  }
0x51: {  	[sflag:s9] =	ssyncadd.s32 $0xFFFFFF80  }
0x52: {  	[bflag:$0x0] =	sbarrier.arrive $0xFFFF  }
0x53: {  	[tilespmem:s8], [sflag:$0x1] =	stream.linear.gather [spmem:s4], $0x280, $0x38;
	[tilespmem:$0x2D80] =	vst v63  }
0x54: {  	s13 =	sadd.s32 $0x1, s13;
	_ =	swait.ge [sflag:s9], $0x280  }
0x55: {  	p0 =	sne.s32 s13, s7;
	[sflag:s9] =	ssyncset.done $0x0  }
.Ltmp1:
0x56: {  	[sflag:s9] =	ssyncadd.s32 $0xFFFFFD80;
	(pc) =	sbr.rel @p0 .LBB2_1-.Ltmp1, $4  }
0x57: {  	[hbm4b:s6+s10] =	stream.strided.scatter [tilespmem:s8], [sflag:$0x1], $0x280, s12, s10, $0x38;
	[tilespmem:$0x2D80] =	vst v63  }
0x58: {  	_ =	swait.ge [sflag:s9], $0x280  }
0x59: {  	[sflag:s9] =	ssyncset.done $0x0  }
0x5a: {  	[sflag:s9] =	ssyncadd.s32 $0xFFFFFD80  }
0x5b: {  	_ =	sfence.sel $0x180000  }
0x5c: {  	[bflag:$0x0] =	sbarrier.arrive $0xFFFF  }
0x5d: {  	p0 =	sne.s32 s1, $0x0;
	_ =	strace $0x90000047  }
0x5e: {  	s0 =	sadd.s32 @!p0 $0x100000, s0;
	[bflag:$0x2] =	sbarrier.arrive $0xFFFF  }
0x5f: {  	[sflag:s0] =	ssyncadd.tile.s32 @!p0 $0x1;
	_ =	shalt  }
.Lfunc_end2:
_tile_overlayer_lowered:
.L_overlay_start_2:
0x60: {  	(tag) =	ssettag $0x2  }
0x61: {  	s0 =	rddreg [dreg:$0x0];
	s2 =	stileid.u32  }
0x62: {  	s1 =	rddreg [dreg:$0x1];
	p0 =	sne.s32 s2, $0x0  }
0x63: {  	s3 =	rddreg [dreg:$0x2];
	[bflag:$0x3] =	sbarrier.arrive $0xFFFF;
	s2 =	simm.s32 @!p0 $0x1C01  }
0x64: {  	[timem:s3], [sflag:s2] =	dma.local @!p0 [hbm:s0], s1  }
0x65: {  	s0 =	simm.s32 @!p0 $0x1  }
0x66: {  	_ =	swait.ge @!p0 [sflag:s0], s1  }
0x67: {  	s1 =	ssub.s32 @!p0 $0x0, s1;
	[sflag:s0] =	ssyncset.done @!p0 $0x0  }
0x68: {  	[sflag:s0] =	ssyncadd.s32 @!p0 s1  }
0x69: {  	[bflag:$0x3] =	sbarrier.arrive $0xFFFF  }
0x6a: {  	_ =	shalt  }

</sc_bundles>
